<compile_context>
chip_gen: v7x
topology: tpu7x:2x2x1
jax: 0.10.2.dev20260603
libtpu: 0.0.44.dev20260713+nightly
codegen_flags: <defaults>
</compile_context>

<pallas_src>
import dataclasses
import functools

import jax
import jax.numpy as jnp
from jax import lax
from jax.experimental import pallas as pl
from jax.experimental.pallas import tpu as pltpu
from jax.experimental.pallas import tpu_sc as plsc

N = 10000
M = 5000
P = 320000
D = 128

NC = 2
NS = 16
NW = NC * NS

PW = P // NW
CA = 80
CB = 40
NBUF = 5

MP = 5120
NP = 10112
MZ = MP // NS
NZ = NP // NS


@functools.lru_cache(maxsize=None)
def _sc_mesh():
    return plsc.VectorSubcoreMesh(core_axis_name="c", subcore_axis_name="s",
                                  num_cores=NC, num_subcores=NS)


def _pipelined_gather_scatter(src_hbm, gidx_v, sidx_v, acc_sh, rows_v,
                              gs, ss, c_sz):
    nch = PW // c_sz

    def gslice(i):
        return gidx_v.at[pl.ds(i * c_sz, c_sz)]

    def sslice(i):
        return sidx_v.at[pl.ds(i * c_sz, c_sz)]

    @pl.loop(0, nch // NBUF)
    def _(k):
        for b in range(NBUF):
            i = k * NBUF + b
            pltpu.make_async_copy(
                src_hbm.at[gslice(i)], rows_v.at[b], gs[b]).wait()
            pltpu.async_copy(rows_v.at[b], acc_sh.at[sslice(i)], ss[b],
                             add=True)
            bj = (b + 2) % NBUF
            j = i + 2
            jm = j - NBUF

            @pl.when(jnp.logical_and(j >= NBUF, j < nch))
            def _():
                pltpu.make_async_copy(
                    rows_v.at[bj], acc_sh.at[sslice(jm)], ss[bj]).wait()
                pltpu.async_copy(src_hbm.at[gslice(j)], rows_v.at[bj],
                                 gs[bj])

    for b in range(NBUF):
        i = nch - NBUF + b
        pltpu.make_async_copy(rows_v.at[b], acc_sh.at[sslice(i)],
                              ss[b]).wait()


def _prologue_gathers(src_hbm, gidx_v, rows_v, gs, c_sz):
    for b in range(NBUF):
        pltpu.async_copy(src_hbm.at[gidx_v.at[pl.ds(b * c_sz, c_sz)]],
                         rows_v.at[b], gs[b])


def _edge_agg_body(x_hbm, vflat_hbm, eflat_hbm, z128_hbm,
                   xe_out, cnt_out,
                   xe_sh, vflat_v, eflat_v, rows_v, hist_v,
                   g0, g1, g2, g3, g4, s0, s1, s2, s3, s4):
    gs = (g0, g1, g2, g3, g4)
    ss = (s0, s1, s2, s3, s4)
    c = lax.axis_index("c")
    s = lax.axis_index("s")
    w = c * NS + s
    pltpu.sync_copy(vflat_hbm.at[w], vflat_v)
    pltpu.sync_copy(eflat_hbm.at[w], eflat_v)
    pltpu.sync_copy(z128_hbm.at[pl.ds(0, MZ)], xe_sh.at[pl.ds(s * MZ, MZ)])

    @pl.loop(0, MP // 16)
    def _(k):
        hist_v[pl.ds(k * 16, 16)] = jnp.zeros((16,), jnp.float32)

    plsc.subcore_barrier()

    _prologue_gathers(x_hbm, vflat_v, rows_v, gs, CA)

    ones16 = jnp.ones((16,), jnp.float32)

    @pl.loop(0, PW // 16)
    def _(k):
        idx = eflat_v[pl.ds(k * 16, 16)]
        plsc.addupdate_scatter(hist_v, [idx], ones16)

    _pipelined_gather_scatter(x_hbm, vflat_v, eflat_v, xe_sh, rows_v, gs, ss,
                              CA)

    plsc.subcore_barrier()
    pltpu.sync_copy(xe_sh.at[pl.ds(s * MZ, MZ)], xe_out.at[c, pl.ds(s * MZ, MZ)])
    pltpu.sync_copy(hist_v, cnt_out.at[c, pl.ds(s * MP, MP)])


@functools.lru_cache(maxsize=None)
def _edge_agg():
    cp = dataclasses.replace(pltpu.CompilerParams(), needs_layout_passes=False)
    return pl.kernel(
        _edge_agg_body,
        out_type=[
            jax.ShapeDtypeStruct((NC, MP, D), jnp.float32),
            jax.ShapeDtypeStruct((NC, NS * MP), jnp.float32),
        ],
        mesh=_sc_mesh(),
        scratch_types=[
            pltpu.VMEM_SHARED((MP, D), jnp.float32),
            pltpu.VMEM((PW,), jnp.int32),
            pltpu.VMEM((PW,), jnp.int32),
            pltpu.VMEM((NBUF, CA, D), jnp.float32),
            pltpu.VMEM((MP,), jnp.float32),
        ] + [pltpu.SemaphoreType.DMA] * (2 * NBUF),
        compiler_params=cp,
    )


def _vertex_agg_body(xe_hbm, eflat_hbm, vflat_hbm, z128_hbm,
                     xv_out,
                     xv_sh, eflat_v, vflat_v, rows_v,
                     g0, g1, g2, g3, g4, s0, s1, s2, s3, s4):
    gs = (g0, g1, g2, g3, g4)
    ss = (s0, s1, s2, s3, s4)
    c = lax.axis_index("c")
    s = lax.axis_index("s")
    w = c * NS + s
    pltpu.sync_copy(eflat_hbm.at[w], eflat_v)
    pltpu.sync_copy(vflat_hbm.at[w], vflat_v)
    pltpu.sync_copy(z128_hbm.at[pl.ds(0, NZ)], xv_sh.at[pl.ds(s * NZ, NZ)])
    plsc.subcore_barrier()

    _prologue_gathers(xe_hbm, eflat_v, rows_v, gs, CB)
    _pipelined_gather_scatter(xe_hbm, eflat_v, vflat_v, xv_sh, rows_v, gs, ss,
                              CB)

    plsc.subcore_barrier()
    pltpu.sync_copy(xv_sh.at[pl.ds(s * NZ, NZ)], xv_out.at[c, pl.ds(s * NZ, NZ)])


@functools.lru_cache(maxsize=None)
def _vertex_agg():
    return pl.kernel(
        _vertex_agg_body,
        out_type=jax.ShapeDtypeStruct((NC, NP, D), jnp.float32),
        mesh=_sc_mesh(),
        scratch_types=[
            pltpu.VMEM_SHARED((NP, D), jnp.float32),
            pltpu.VMEM((PW,), jnp.int32),
            pltpu.VMEM((PW,), jnp.int32),
            pltpu.VMEM((NBUF, CB, D), jnp.float32),
        ] + [pltpu.SemaphoreType.DMA] * (2 * NBUF),
    )


_BR1 = 256
_BR2 = 400


def _norm_body(xe_ref, cnt_ref, dege_ref, out_ref):
    xe = xe_ref[0] + xe_ref[1]
    cnt = jnp.sum(cnt_ref[...], axis=0)[:, None]
    out_ref[...] = xe * (dege_ref[...] / jnp.maximum(cnt, 1.0))


def _edge_norm(xe_parts, cnt_parts, dege_pad):
    return pl.pallas_call(
        _norm_body,
        grid=(MP // _BR1,),
        in_specs=[
            pl.BlockSpec((NC, _BR1, D), lambda i: (0, i, 0)),
            pl.BlockSpec((NC * NS, _BR1), lambda i: (0, i)),
            pl.BlockSpec((_BR1, 1), lambda i: (i, 0)),
        ],
        out_specs=pl.BlockSpec((_BR1, D), lambda i: (i, 0)),
        out_shape=jax.ShapeDtypeStruct((MP, D), jnp.float32),
    )(xe_parts, cnt_parts, dege_pad)


def _final_body(xv_ref, degv_ref, x0_ref, w_ref, p_ref, out_ref):
    a = p_ref[0, 0]
    b = p_ref[0, 1]
    xv = xv_ref[0] + xv_ref[1]
    xi = (1.0 - a) * xv * degv_ref[...] + a * x0_ref[...]
    out_ref[...] = (1.0 - b) * xi + b * jnp.dot(
        xi, w_ref[...], preferred_element_type=jnp.float32)


def _final(xv_parts, degv, x0, w, params):
    return pl.pallas_call(
        _final_body,
        grid=(N // _BR2,),
        in_specs=[
            pl.BlockSpec((NC, _BR2, D), lambda i: (0, i, 0)),
            pl.BlockSpec((_BR2, 1), lambda i: (i, 0)),
            pl.BlockSpec((_BR2, D), lambda i: (i, 0)),
            pl.BlockSpec((D, D), lambda i: (0, 0)),
            pl.BlockSpec((1, 2), lambda i: (0, 0)),
        ],
        out_specs=pl.BlockSpec((_BR2, D), lambda i: (i, 0)),
        out_shape=jax.ShapeDtypeStruct((N, D), jnp.float32),
    )(xv_parts, degv, x0, w, params)


def kernel(X, X0, vertex_idx, edge_idx, degE, degV, W, alpha, beta):
    vflat = vertex_idx.reshape(NW, PW)
    eflat = edge_idx.reshape(NW, PW)
    z128v = jnp.zeros((NZ, D), jnp.float32)

    xe_parts, cnt_parts = _edge_agg()(X, vflat, eflat, z128v)

    dege_pad = jnp.pad(degE.astype(jnp.float32), ((0, MP - M), (0, 0)))
    xe = _edge_norm(xe_parts, cnt_parts.reshape(NC * NS, MP), dege_pad)

    eperm = edge_idx.reshape(128, P // 128).T.reshape(NW, PW)
    vperm = vertex_idx.reshape(128, P // 128).T.reshape(NW, PW)
    xv_parts = _vertex_agg()(xe, eperm, vperm, z128v)

    params = jnp.stack([jnp.float32(alpha), jnp.float32(beta)]).reshape(1, 2)
    return _final(xv_parts, degV.astype(jnp.float32), X0, W, params)

# --- scband reference (transcript-rebuilt; emitter-appended) ---
"""Pipeline reference for scband-hyper-gsys-uni-gcnii-27831388078172 (READ-ONLY COPY).

The authoritative reference and input builder live on the scoring server;
editing this copy changes nothing except your own understanding.
"""

import jax, jax.numpy as jnp
import numpy as np

N = 10000   # vertices
M = 5000    # hyperedges
P = 320000  # incidence pairs (vertex, hyperedge)
D = 128     # feature dim (in_channels == out_channels)


def setup_inputs(seed: int = 0) -> dict:
    key = jax.random.key(seed)
    k1, k2, k3, k4, k5 = jax.random.split(key, 5)
    X = jax.random.normal(k1, (N, D), dtype=jnp.float32)
    X0 = jax.random.normal(k2, (N, D), dtype=jnp.float32)
    vertex_idx = jax.random.randint(k3, (P,), 0, N, dtype=jnp.int32)
    edge_idx = jnp.sort(jax.random.randint(k4, (P,), 0, M, dtype=jnp.int32))
    # UniGNN-style degree normalizers: degV = d_v^{-1/2}; degE = (mean_{v in e} d_v)^{-1/2}
    dv = jnp.bincount(vertex_idx, length=N).astype(jnp.float32)
    degV = jnp.clip(dv, 1.0) ** -0.5
    degV = degV[:, None]
    sumdeg_e = jax.ops.segment_sum(dv[vertex_idx], edge_idx, num_segments=M)
    cnt_e = jax.ops.segment_sum(jnp.ones((P,), dtype=jnp.float32), edge_idx, num_segments=M)
    degE = (jnp.clip(sumdeg_e / jnp.clip(cnt_e, 1.0), 1.0)) ** -0.5
    degE = degE[:, None]
    W = jax.random.normal(k5, (D, D), dtype=jnp.float32) * (1.0 / np.sqrt(D))
    return {
        "X": X,
        "X0": X0,
        "vertex_idx": vertex_idx,
        "edge_idx": edge_idx,
        "degE": degE,
        "degV": degV,
        "W": W,
        "alpha": 0.1,
        "beta": 0.5,
    }


def reference(X, X0, vertex_idx, edge_idx, degE, degV, W, alpha, beta):
    # UniGNNConvdeg: vertex -> hyperedge (mean), scale by degE; hyperedge -> vertex (sum), scale by degV
    gathered = X[vertex_idx]                                   # [P, D] gather
    Xe = jax.ops.segment_sum(gathered, edge_idx, num_segments=M)
    cnt = jax.ops.segment_sum(jnp.ones((gathered.shape[0],), dtype=X.dtype), edge_idx, num_segments=M)
    Xe = Xe / jnp.clip(cnt, 1.0)[:, None]                      # segment mean over hyperedges
    Xe = Xe * degE                                             # [M, D]
    Xv = jax.ops.segment_sum(Xe[edge_idx], vertex_idx, num_segments=N)  # [N, D] scatter-add
    Xv = Xv * degV
    # UniGCNII residual + identity-mapping linear
    Xi = (1.0 - alpha) * Xv + alpha * X0
    out = (1.0 - beta) * Xi + beta * (Xi @ W)
    return out

if __name__ == "__main__":
    import jax
    _d = setup_inputs()
    print(jax.jit(kernel)(*tuple(_d.values())))

</pallas_src>

<mosaic_0001>
#map = affine_map<(d0, d1) -> (0, 0)>
#map1 = affine_map<(d0, d1) -> (0, 0, 0)>
module attributes {stable_mosaic.version = 14 : i64} {
  func.func @_edge_agg_body(%arg0: i32, %arg1: i32, %arg2: memref<10000x128xf32, #tpu.memory_space<hbm>>, %arg3: memref<32x10000xi32, #tpu.memory_space<hbm>>, %arg4: memref<32x10000xi32, #tpu.memory_space<hbm>>, %arg5: memref<632x128xf32, #tpu.memory_space<hbm>>, %arg6: memref<2x5120x128xf32, #tpu.memory_space<hbm>>, %arg7: memref<2x81920xf32, #tpu.memory_space<hbm>>, %arg8: memref<5120x128xf32, #tpu.memory_space<vmem_shared>>, %arg9: memref<10000xi32, #tpu.memory_space<vmem>>, %arg10: memref<10000xi32, #tpu.memory_space<vmem>>, %arg11: memref<5x80x128xf32, #tpu.memory_space<vmem>>, %arg12: memref<5120xf32, #tpu.memory_space<vmem>>, %arg13: memref<!tpu.dma_semaphore, #tpu.memory_space<semaphore_mem>>, %arg14: memref<!tpu.dma_semaphore, #tpu.memory_space<semaphore_mem>>, %arg15: memref<!tpu.dma_semaphore, #tpu.memory_space<semaphore_mem>>, %arg16: memref<!tpu.dma_semaphore, #tpu.memory_space<semaphore_mem>>, %arg17: memref<!tpu.dma_semaphore, #tpu.memory_space<semaphore_mem>>, %arg18: memref<!tpu.dma_semaphore, #tpu.memory_space<semaphore_mem>>, %arg19: memref<!tpu.dma_semaphore, #tpu.memory_space<semaphore_mem>>, %arg20: memref<!tpu.dma_semaphore, #tpu.memory_space<semaphore_mem>>, %arg21: memref<!tpu.dma_semaphore, #tpu.memory_space<semaphore_mem>>, %arg22: memref<!tpu.dma_semaphore, #tpu.memory_space<semaphore_mem>>) attributes {dimension_semantics = [#tpu.dimension_semantics<core_parallel>, #tpu.dimension_semantics<subcore_parallel>], iteration_bounds = array<i64: 2, 16>, scalar_prefetch = 0 : i64, scratch_operands = 15 : i64, tpu.core_type = #tpu.core_type<sc_vector_subcore>, window_params = [{transform_indices = #map}, {transform_indices = #map}, {transform_indices = #map}, {transform_indices = #map}, {transform_indices = #map1}, {transform_indices = #map}]} {
    %mul3A = arith.constant 16 : i32
    %mul3A_0 = arith.muli %arg0, %mul3A : i32
    %add3A = arith.addi %mul3A_0, %arg1 : i32
    "tpu.region"() ({
      %run_scoped3A = tpu.sem_alloc : memref<!tpu.dma_semaphore, #tpu.memory_space<semaphore_mem>>
      %dma_start3A_123 = arith.constant 0 : i32
      %dma_start3A_124 = tpu.memref_slice %arg3[%add3A, %dma_start3A_123] : memref<32x10000xi32, #tpu.memory_space<hbm>> -> memref<1x10000xi32, #tpu.memory_space<hbm>>
      %dma_start3A_125 = tpu.memref_squeeze %dma_start3A_124 : memref<1x10000xi32, #tpu.memory_space<hbm>> -> memref<10000xi32, #tpu.memory_space<hbm>>
      %dma_start3A_126 = arith.constant 0 : i32
      %dma_start3A_127 = tpu.memref_slice %arg3[%add3A, %dma_start3A_126] : memref<32x10000xi32, #tpu.memory_space<hbm>> -> memref<1x10000xi32, #tpu.memory_space<hbm>>
      %dma_start3A_128 = tpu.memref_squeeze %dma_start3A_127 : memref<1x10000xi32, #tpu.memory_space<hbm>> -> memref<10000xi32, #tpu.memory_space<hbm>>
      tpu.enqueue_dma source(%dma_start3A_128 : memref<10000xi32, #tpu.memory_space<hbm>>) target(%arg9 : memref<10000xi32, #tpu.memory_space<vmem>>) target_semaphore(%run_scoped3A : memref<!tpu.dma_semaphore, #tpu.memory_space<semaphore_mem>>)
      %dma_wait3A_129 = arith.constant 0 : i32
      %dma_wait3A_130 = tpu.memref_slice %arg3[%add3A, %dma_wait3A_129] : memref<32x10000xi32, #tpu.memory_space<hbm>> -> memref<1x10000xi32, #tpu.memory_space<hbm>>
      %dma_wait3A_131 = tpu.memref_squeeze %dma_wait3A_130 : memref<1x10000xi32, #tpu.memory_space<hbm>> -> memref<10000xi32, #tpu.memory_space<hbm>>
      %dma_wait3A_132 = arith.constant 0 : i32
      %dma_wait3A_133 = tpu.memref_slice %arg3[%add3A, %dma_wait3A_132] : memref<32x10000xi32, #tpu.memory_space<hbm>> -> memref<1x10000xi32, #tpu.memory_space<hbm>>
      %dma_wait3A_134 = tpu.memref_squeeze %dma_wait3A_133 : memref<1x10000xi32, #tpu.memory_space<hbm>> -> memref<10000xi32, #tpu.memory_space<hbm>>
      tpu.wait_dma2 semaphore(%run_scoped3A : memref<!tpu.dma_semaphore, #tpu.memory_space<semaphore_mem>>) src(%dma_wait3A_134 : memref<10000xi32, #tpu.memory_space<hbm>>) dst(%arg9 : memref<10000xi32, #tpu.memory_space<vmem>>)
      tpu.yield
    }) : () -> ()
    "tpu.region"() ({
      %run_scoped3A = tpu.sem_alloc : memref<!tpu.dma_semaphore, #tpu.memory_space<semaphore_mem>>
      %dma_start3A_123 = arith.constant 0 : i32
      %dma_start3A_124 = tpu.memref_slice %arg4[%add3A, %dma_start3A_123] : memref<32x10000xi32, #tpu.memory_space<hbm>> -> memref<1x10000xi32, #tpu.memory_space<hbm>>
      %dma_start3A_125 = tpu.memref_squeeze %dma_start3A_124 : memref<1x10000xi32, #tpu.memory_space<hbm>> -> memref<10000xi32, #tpu.memory_space<hbm>>
      %dma_start3A_126 = arith.constant 0 : i32
      %dma_start3A_127 = tpu.memref_slice %arg4[%add3A, %dma_start3A_126] : memref<32x10000xi32, #tpu.memory_space<hbm>> -> memref<1x10000xi32, #tpu.memory_space<hbm>>
      %dma_start3A_128 = tpu.memref_squeeze %dma_start3A_127 : memref<1x10000xi32, #tpu.memory_space<hbm>> -> memref<10000xi32, #tpu.memory_space<hbm>>
      tpu.enqueue_dma source(%dma_start3A_128 : memref<10000xi32, #tpu.memory_space<hbm>>) target(%arg10 : memref<10000xi32, #tpu.memory_space<vmem>>) target_semaphore(%run_scoped3A : memref<!tpu.dma_semaphore, #tpu.memory_space<semaphore_mem>>)
      %dma_wait3A_129 = arith.constant 0 : i32
      %dma_wait3A_130 = tpu.memref_slice %arg4[%add3A, %dma_wait3A_129] : memref<32x10000xi32, #tpu.memory_space<hbm>> -> memref<1x10000xi32, #tpu.memory_space<hbm>>
      %dma_wait3A_131 = tpu.memref_squeeze %dma_wait3A_130 : memref<1x10000xi32, #tpu.memory_space<hbm>> -> memref<10000xi32, #tpu.memory_space<hbm>>
      %dma_wait3A_132 = arith.constant 0 : i32
      %dma_wait3A_133 = tpu.memref_slice %arg4[%add3A, %dma_wait3A_132] : memref<32x10000xi32, #tpu.memory_space<hbm>> -> memref<1x10000xi32, #tpu.memory_space<hbm>>
      %dma_wait3A_134 = tpu.memref_squeeze %dma_wait3A_133 : memref<1x10000xi32, #tpu.memory_space<hbm>> -> memref<10000xi32, #tpu.memory_space<hbm>>
      tpu.wait_dma2 semaphore(%run_scoped3A : memref<!tpu.dma_semaphore, #tpu.memory_space<semaphore_mem>>) src(%dma_wait3A_134 : memref<10000xi32, #tpu.memory_space<hbm>>) dst(%arg10 : memref<10000xi32, #tpu.memory_space<vmem>>)
      tpu.yield
    }) : () -> ()
    %mul3A_1 = arith.constant 320 : i32
    %mul3A_2 = arith.muli %arg1, %mul3A_1 : i32
    "tpu.region"() ({
      %run_scoped3A = tpu.sem_alloc : memref<!tpu.dma_semaphore, #tpu.memory_space<semaphore_mem>>
      %dma_start3A_123 = arith.constant 0 : i32
      %dma_start3A_124 = tpu.memref_slice %arg8[%mul3A_2, %dma_start3A_123] : memref<5120x128xf32, #tpu.memory_space<vmem_shared>> -> memref<320x128xf32, #tpu.memory_space<vmem_shared>>
      %dma_start3A_125 = arith.constant 0 : i32
      %dma_start3A_126 = arith.constant 0 : i32
      %dma_start3A_127 = tpu.memref_slice %arg5[%dma_start3A_125, %dma_start3A_126] : memref<632x128xf32, #tpu.memory_space<hbm>> -> memref<320x128xf32, #tpu.memory_space<hbm>>
      tpu.enqueue_dma source(%dma_start3A_127 : memref<320x128xf32, #tpu.memory_space<hbm>>) target(%dma_start3A_124 : memref<320x128xf32, #tpu.memory_space<vmem_shared>>) target_semaphore(%run_scoped3A : memref<!tpu.dma_semaphore, #tpu.memory_space<semaphore_mem>>)
      %dma_wait3A_128 = arith.constant 0 : i32
      %dma_wait3A_129 = tpu.memref_slice %arg8[%mul3A_2, %dma_wait3A_128] : memref<5120x128xf32, #tpu.memory_space<vmem_shared>> -> memref<320x128xf32, #tpu.memory_space<vmem_shared>>
      %dma_wait3A_130 = arith.constant 0 : i32
      %dma_wait3A_131 = arith.constant 0 : i32
      %dma_wait3A_132 = tpu.memref_slice %arg5[%dma_wait3A_130, %dma_wait3A_131] : memref<632x128xf32, #tpu.memory_space<hbm>> -> memref<320x128xf32, #tpu.memory_space<hbm>>
      tpu.wait_dma2 semaphore(%run_scoped3A : memref<!tpu.dma_semaphore, #tpu.memory_space<semaphore_mem>>) src(%dma_wait3A_132 : memref<320x128xf32, #tpu.memory_space<hbm>>) dst(%dma_wait3A_129 : memref<320x128xf32, #tpu.memory_space<vmem_shared>>)
      tpu.yield
    }) : () -> ()
    %scan3A = arith.constant 0 : i32
    %scan3A_3 = arith.constant 320 : i32
    %scan3A_4 = arith.addi %scan3A, %scan3A_3 : i32
    %scan3A_5 = arith.constant 1 : i32
    scf.for %scan3A_123 = %scan3A to %scan3A_4 step %scan3A_5  : i32 {
      %mul3A_124 = arith.constant 1 : i32
      %mul3A_125 = arith.muli %scan3A_123, %mul3A_124 : i32
      %add3A_126 = arith.constant 0 : i32
      %add3A_127 = arith.addi %add3A_126, %mul3A_125 : i32
      %broadcast_in_dim3A_128 = arith.constant 0.000000e+00 : f32
      %broadcast_in_dim3A_129 = vector.broadcast %broadcast_in_dim3A_128 : f32 to vector<16xf32>
      %mul3A_130 = arith.constant 16 : i32
      %mul3A_131 = arith.muli %add3A_127, %mul3A_130 : i32
      %swap3A = arith.index_cast %mul3A_131 : i32 to index
      %swap3A_132 = tpu.vector_load %arg12[%swap3A] {strides = array<i32>} : memref<5120xf32, #tpu.memory_space<vmem>>, vector<16xf32>,
      tpu.vector_store %arg12[%swap3A], %broadcast_in_dim3A_129 {strides = array<i32>} : memref<5120xf32, #tpu.memory_space<vmem>>, vector<16xf32>,
    }
    %scan3A_6 = arith.constant 320 : i32
    %barrier3A = arith.constant 0 : index
    tpu.barrier barrier_id(%barrier3A)
    %dma_start3A = arith.constant 0 : i32
    %dma_start3A_7 = arith.constant 0 : i32
    %dma_start3A_8 = arith.constant 0 : i32
    %dma_start3A_9 = tpu.memref_slice %arg11[%dma_start3A, %dma_start3A_7, %dma_start3A_8] : memref<5x80x128xf32, #tpu.memory_space<vmem>> -> memref<1x80x128xf32, #tpu.memory_space<vmem>>
    %dma_start3A_10 = tpu.memref_squeeze %dma_start3A_9 : memref<1x80x128xf32, #tpu.memory_space<vmem>> -> memref<80x128xf32, #tpu.memory_space<vmem>>
    %dma_start3A_11 = arith.constant 0 : i32
    %dma_start3A_12 = tpu.memref_slice %arg9[%dma_start3A_11] : memref<10000xi32, #tpu.memory_space<vmem>> -> memref<80xi32, #tpu.memory_space<vmem>>
    %dma_start3A_13 = arith.constant 0 : i32
    %dma_start3A_14 = arith.constant 0 : i32
    %dma_start3A_15 = tpu.memref_slice %arg2[%dma_start3A_13, %dma_start3A_14] : memref<10000x128xf32, #tpu.memory_space<hbm>> -> memref<10000x128xf32, #tpu.memory_space<hbm>>
    tpu.enqueue_indirect_dma source(%dma_start3A_15 : memref<10000x128xf32, #tpu.memory_space<hbm>>) target(%dma_start3A_10 : memref<80x128xf32, #tpu.memory_space<vmem>>) offsets(%dma_start3A_12 : memref<80xi32, #tpu.memory_space<vmem>>) semaphore(%arg13 : memref<!tpu.dma_semaphore, #tpu.memory_space<semaphore_mem>>)
    %dma_start3A_16 = arith.constant 1 : i32
    %dma_start3A_17 = arith.constant 0 : i32
    %dma_start3A_18 = arith.constant 0 : i32
    %dma_start3A_19 = tpu.memref_slice %arg11[%dma_start3A_16, %dma_start3A_17, %dma_start3A_18] : memref<5x80x128xf32, #tpu.memory_space<vmem>> -> memref<1x80x128xf32, #tpu.memory_space<vmem>>
    %dma_start3A_20 = tpu.memref_squeeze %dma_start3A_19 : memref<1x80x128xf32, #tpu.memory_space<vmem>> -> memref<80x128xf32, #tpu.memory_space<vmem>>
    %dma_start3A_21 = arith.constant 80 : i32
    %dma_start3A_22 = tpu.memref_slice %arg9[%dma_start3A_21] : memref<10000xi32, #tpu.memory_space<vmem>> -> memref<80xi32, #tpu.memory_space<vmem>>
    %dma_start3A_23 = arith.constant 0 : i32
    %dma_start3A_24 = arith.constant 0 : i32
    %dma_start3A_25 = tpu.memref_slice %arg2[%dma_start3A_23, %dma_start3A_24] : memref<10000x128xf32, #tpu.memory_space<hbm>> -> memref<10000x128xf32, #tpu.memory_space<hbm>>
    tpu.enqueue_indirect_dma source(%dma_start3A_25 : memref<10000x128xf32, #tpu.memory_space<hbm>>) target(%dma_start3A_20 : memref<80x128xf32, #tpu.memory_space<vmem>>) offsets(%dma_start3A_22 : memref<80xi32, #tpu.memory_space<vmem>>) semaphore(%arg14 : memref<!tpu.dma_semaphore, #tpu.memory_space<semaphore_mem>>)
    %dma_start3A_26 = arith.constant 2 : i32
    %dma_start3A_27 = arith.constant 0 : i32
    %dma_start3A_28 = arith.constant 0 : i32
    %dma_start3A_29 = tpu.memref_slice %arg11[%dma_start3A_26, %dma_start3A_27, %dma_start3A_28] : memref<5x80x128xf32, #tpu.memory_space<vmem>> -> memref<1x80x128xf32, #tpu.memory_space<vmem>>
    %dma_start3A_30 = tpu.memref_squeeze %dma_start3A_29 : memref<1x80x128xf32, #tpu.memory_space<vmem>> -> memref<80x128xf32, #tpu.memory_space<vmem>>
    %dma_start3A_31 = arith.constant 160 : i32
    %dma_start3A_32 = tpu.memref_slice %arg9[%dma_start3A_31] : memref<10000xi32, #tpu.memory_space<vmem>> -> memref<80xi32, #tpu.memory_space<vmem>>
    %dma_start3A_33 = arith.constant 0 : i32
    %dma_start3A_34 = arith.constant 0 : i32
    %dma_start3A_35 = tpu.memref_slice %arg2[%dma_start3A_33, %dma_start3A_34] : memref<10000x128xf32, #tpu.memory_space<hbm>> -> memref<10000x128xf32, #tpu.memory_space<hbm>>
    tpu.enqueue_indirect_dma source(%dma_start3A_35 : memref<10000x128xf32, #tpu.memory_space<hbm>>) target(%dma_start3A_30 : memref<80x128xf32, #tpu.memory_space<vmem>>) offsets(%dma_start3A_32 : memref<80xi32, #tpu.memory_space<vmem>>) semaphore(%arg15 : memref<!tpu.dma_semaphore, #tpu.memory_space<semaphore_mem>>)
    %dma_start3A_36 = arith.constant 3 : i32
    %dma_start3A_37 = arith.constant 0 : i32
    %dma_start3A_38 = arith.constant 0 : i32
    %dma_start3A_39 = tpu.memref_slice %arg11[%dma_start3A_36, %dma_start3A_37, %dma_start3A_38] : memref<5x80x128xf32, #tpu.memory_space<vmem>> -> memref<1x80x128xf32, #tpu.memory_space<vmem>>
    %dma_start3A_40 = tpu.memref_squeeze %dma_start3A_39 : memref<1x80x128xf32, #tpu.memory_space<vmem>> -> memref<80x128xf32, #tpu.memory_space<vmem>>
    %dma_start3A_41 = arith.constant 240 : i32
    %dma_start3A_42 = tpu.memref_slice %arg9[%dma_start3A_41] : memref<10000xi32, #tpu.memory_space<vmem>> -> memref<80xi32, #tpu.memory_space<vmem>>
    %dma_start3A_43 = arith.constant 0 : i32
    %dma_start3A_44 = arith.constant 0 : i32
    %dma_start3A_45 = tpu.memref_slice %arg2[%dma_start3A_43, %dma_start3A_44] : memref<10000x128xf32, #tpu.memory_space<hbm>> -> memref<10000x128xf32, #tpu.memory_space<hbm>>
    tpu.enqueue_indirect_dma source(%dma_start3A_45 : memref<10000x128xf32, #tpu.memory_space<hbm>>) target(%dma_start3A_40 : memref<80x128xf32, #tpu.memory_space<vmem>>) offsets(%dma_start3A_42 : memref<80xi32, #tpu.memory_space<vmem>>) semaphore(%arg16 : memref<!tpu.dma_semaphore, #tpu.memory_space<semaphore_mem>>)
    %dma_start3A_46 = arith.constant 4 : i32
    %dma_start3A_47 = arith.constant 0 : i32
    %dma_start3A_48 = arith.constant 0 : i32
    %dma_start3A_49 = tpu.memref_slice %arg11[%dma_start3A_46, %dma_start3A_47, %dma_start3A_48] : memref<5x80x128xf32, #tpu.memory_space<vmem>> -> memref<1x80x128xf32, #tpu.memory_space<vmem>>
    %dma_start3A_50 = tpu.memref_squeeze %dma_start3A_49 : memref<1x80x128xf32, #tpu.memory_space<vmem>> -> memref<80x128xf32, #tpu.memory_space<vmem>>
    %dma_start3A_51 = arith.constant 320 : i32
    %dma_start3A_52 = tpu.memref_slice %arg9[%dma_start3A_51] : memref<10000xi32, #tpu.memory_space<vmem>> -> memref<80xi32, #tpu.memory_space<vmem>>
    %dma_start3A_53 = arith.constant 0 : i32
    %dma_start3A_54 = arith.constant 0 : i32
    %dma_start3A_55 = tpu.memref_slice %arg2[%dma_start3A_53, %dma_start3A_54] : memref<10000x128xf32, #tpu.memory_space<hbm>> -> memref<10000x128xf32, #tpu.memory_space<hbm>>
    tpu.enqueue_indirect_dma source(%dma_start3A_55 : memref<10000x128xf32, #tpu.memory_space<hbm>>) target(%dma_start3A_50 : memref<80x128xf32, #tpu.memory_space<vmem>>) offsets(%dma_start3A_52 : memref<80xi32, #tpu.memory_space<vmem>>) semaphore(%arg17 : memref<!tpu.dma_semaphore, #tpu.memory_space<semaphore_mem>>)
    %broadcast_in_dim3A = arith.constant 1.000000e+00 : f32
    %broadcast_in_dim3A_56 = vector.broadcast %broadcast_in_dim3A : f32 to vector<16xf32>
    %scan3A_57 = arith.constant 0 : i32
    %scan3A_58 = arith.constant 625 : i32
    %scan3A_59 = arith.addi %scan3A_57, %scan3A_58 : i32
    %scan3A_60 = arith.constant 1 : i32
    scf.for %scan3A_123 = %scan3A_57 to %scan3A_59 step %scan3A_60  : i32 {
      %mul3A_124 = arith.constant 1 : i32
      %mul3A_125 = arith.muli %scan3A_123, %mul3A_124 : i32
      %add3A_126 = arith.constant 0 : i32
      %add3A_127 = arith.addi %add3A_126, %mul3A_125 : i32
      %mul3A_128 = arith.constant 16 : i32
      %mul3A_129 = arith.muli %add3A_127, %mul3A_128 : i32
      %get3A = arith.index_cast %mul3A_129 : i32 to index
      %get3A_130 = tpu.vector_load %arg10[%get3A] {strides = array<i32>} : memref<10000xi32, #tpu.memory_space<vmem>>, vector<16xi32>,
      tpu.vector_store_idx %arg12[%get3A_130], %broadcast_in_dim3A_56 {add = true} : memref<5120xf32, #tpu.memory_space<vmem>>[vector<16xi32>], vector<16xf32>,
    }
    %scan3A_61 = arith.constant 625 : i32
    %scan3A_62 = arith.constant 0 : i32
    %scan3A_63 = arith.constant 25 : i32
    %scan3A_64 = arith.addi %scan3A_62, %scan3A_63 : i32
    %scan3A_65 = arith.constant 1 : i32
    scf.for %scan3A_123 = %scan3A_62 to %scan3A_64 step %scan3A_65  : i32 {
      %mul3A_124 = arith.constant 1 : i32
      %mul3A_125 = arith.muli %scan3A_123, %mul3A_124 : i32
      %add3A_126 = arith.constant 0 : i32
      %add3A_127 = arith.addi %add3A_126, %mul3A_125 : i32
      %mul3A_128 = arith.constant 5 : i32
      %mul3A_129 = arith.muli %add3A_127, %mul3A_128 : i32
      %add3A_130 = arith.constant 0 : i32
      %add3A_131 = arith.addi %mul3A_129, %add3A_130 : i32
      %mul3A_132 = arith.constant 80 : i32
      %mul3A_133 = arith.muli %add3A_131, %mul3A_132 : i32
      %dma_wait3A_134 = arith.constant 0 : i32
      %dma_wait3A_135 = arith.constant 0 : i32
      %dma_wait3A_136 = arith.constant 0 : i32
      %dma_wait3A_137 = tpu.memref_slice %arg11[%dma_wait3A_134, %dma_wait3A_135, %dma_wait3A_136] : memref<5x80x128xf32, #tpu.memory_space<vmem>> -> memref<1x80x128xf32, #tpu.memory_space<vmem>>
      %dma_wait3A_138 = tpu.memref_squeeze %dma_wait3A_137 : memref<1x80x128xf32, #tpu.memory_space<vmem>> -> memref<80x128xf32, #tpu.memory_space<vmem>>
      %dma_wait3A_139 = tpu.memref_slice %arg9[%mul3A_133] : memref<10000xi32, #tpu.memory_space<vmem>> -> memref<80xi32, #tpu.memory_space<vmem>>
      %dma_wait3A_140 = arith.constant 0 : i32
      %dma_wait3A_141 = arith.constant 0 : i32
      %dma_wait3A_142 = tpu.memref_slice %arg2[%dma_wait3A_140, %dma_wait3A_141] : memref<10000x128xf32, #tpu.memory_space<hbm>> -> memref<10000x128xf32, #tpu.memory_space<hbm>>
      tpu.wait_indirect_dma semaphore(%arg13 : memref<!tpu.dma_semaphore, #tpu.memory_space<semaphore_mem>>) src(%dma_wait3A_142 : memref<10000x128xf32, #tpu.memory_space<hbm>>) dst(%dma_wait3A_138 : memref<80x128xf32, #tpu.memory_space<vmem>>)
      %mul3A_143 = arith.constant 80 : i32
      %mul3A_144 = arith.muli %add3A_131, %mul3A_143 : i32
      %dma_start3A_145 = arith.constant 0 : i32
      %dma_start3A_146 = arith.constant 0 : i32
      %dma_start3A_147 = arith.constant 0 : i32
      %dma_start3A_148 = tpu.memref_slice %arg11[%dma_start3A_145, %dma_start3A_146, %dma_start3A_147] : memref<5x80x128xf32, #tpu.memory_space<vmem>> -> memref<1x80x128xf32, #tpu.memory_space<vmem>>
      %dma_start3A_149 = tpu.memref_squeeze %dma_start3A_148 : memref<1x80x128xf32, #tpu.memory_space<vmem>> -> memref<80x128xf32, #tpu.memory_space<vmem>>
      %dma_start3A_150 = tpu.memref_slice %arg10[%mul3A_144] : memref<10000xi32, #tpu.memory_space<vmem>> -> memref<80xi32, #tpu.memory_space<vmem>>
      %dma_start3A_151 = arith.constant 0 : i32
      %dma_start3A_152 = arith.constant 0 : i32
      %dma_start3A_153 = tpu.memref_slice %arg8[%dma_start3A_151, %dma_start3A_152] : memref<5120x128xf32, #tpu.memory_space<vmem_shared>> -> memref<5120x128xf32, #tpu.memory_space<vmem_shared>>
      tpu.enqueue_indirect_dma source(%dma_start3A_149 : memref<80x128xf32, #tpu.memory_space<vmem>>) target(%dma_start3A_153 : memref<5120x128xf32, #tpu.memory_space<vmem_shared>>) offsets(%dma_start3A_150 : memref<80xi32, #tpu.memory_space<vmem>>) semaphore(%arg18 : memref<!tpu.dma_semaphore, #tpu.memory_space<semaphore_mem>>) {add = true}
      %add3A_154 = arith.constant 2 : i32
      %add3A_155 = arith.addi %add3A_131, %add3A_154 : i32
      %sub3A = arith.constant 5 : i32
      %sub3A_156 = arith.subi %add3A_155, %sub3A : i32
      %ge3A = arith.constant 5 : i32
      %ge3A_157 = arith.cmpi sge, %add3A_155, %ge3A : i32
      %lt3A = arith.constant 125 : i32
      %lt3A_158 = arith.cmpi slt, %add3A_155, %lt3A : i32
      %and3A = arith.andi %ge3A_157, %lt3A_158 : i1
      %convert_element_type3A = arith.extui %and3A : i1 to i32
      %cond3A = arith.constant 0 : i32
      %cond3A_159 = arith.cmpi ne, %convert_element_type3A, %cond3A : i32
      scf.if %cond3A_159 {
        %mul3A_312 = arith.constant 80 : i32
        %mul3A_313 = arith.muli %sub3A_156, %mul3A_312 : i32
        %dma_wait3A_314 = arith.constant 2 : i32
        %dma_wait3A_315 = arith.constant 0 : i32
        %dma_wait3A_316 = arith.constant 0 : i32
        %dma_wait3A_317 = tpu.memref_slice %arg11[%dma_wait3A_314, %dma_wait3A_315, %dma_wait3A_316] : memref<5x80x128xf32, #tpu.memory_space<vmem>> -> memref<1x80x128xf32, #tpu.memory_space<vmem>>
        %dma_wait3A_318 = tpu.memref_squeeze %dma_wait3A_317 : memref<1x80x128xf32, #tpu.memory_space<vmem>> -> memref<80x128xf32, #tpu.memory_space<vmem>>
        %dma_wait3A_319 = tpu.memref_slice %arg10[%mul3A_313] : memref<10000xi32, #tpu.memory_space<vmem>> -> memref<80xi32, #tpu.memory_space<vmem>>
        %dma_wait3A_320 = arith.constant 0 : i32
        %dma_wait3A_321 = arith.constant 0 : i32
        %dma_wait3A_322 = tpu.memref_slice %arg8[%dma_wait3A_320, %dma_wait3A_321] : memref<5120x128xf32, #tpu.memory_space<vmem_shared>> -> memref<5120x128xf32, #tpu.memory_space<vmem_shared>>
        tpu.wait_indirect_dma semaphore(%arg20 : memref<!tpu.dma_semaphore, #tpu.memory_space<semaphore_mem>>) src(%dma_wait3A_318 : memref<80x128xf32, #tpu.memory_space<vmem>>) dst(%dma_wait3A_322 : memref<5120x128xf32, #tpu.memory_space<vmem_shared>>)
        %mul3A_323 = arith.constant 80 : i32
        %mul3A_324 = arith.muli %add3A_155, %mul3A_323 : i32
        %dma_start3A_325 = arith.constant 2 : i32
        %dma_start3A_326 = arith.constant 0 : i32
        %dma_start3A_327 = arith.constant 0 : i32
        %dma_start3A_328 = tpu.memref_slice %arg11[%dma_start3A_325, %dma_start3A_326, %dma_start3A_327] : memref<5x80x128xf32, #tpu.memory_space<vmem>> -> memref<1x80x128xf32, #tpu.memory_space<vmem>>
        %dma_start3A_329 = tpu.memref_squeeze %dma_start3A_328 : memref<1x80x128xf32, #tpu.memory_space<vmem>> -> memref<80x128xf32, #tpu.memory_space<vmem>>
        %dma_start3A_330 = tpu.memref_slice %arg9[%mul3A_324] : memref<10000xi32, #tpu.memory_space<vmem>> -> memref<80xi32, #tpu.memory_space<vmem>>
        %dma_start3A_331 = arith.constant 0 : i32
        %dma_start3A_332 = arith.constant 0 : i32
        %dma_start3A_333 = tpu.memref_slice %arg2[%dma_start3A_331, %dma_start3A_332] : memref<10000x128xf32, #tpu.memory_space<hbm>> -> memref<10000x128xf32, #tpu.memory_space<hbm>>
        tpu.enqueue_indirect_dma source(%dma_start3A_333 : memref<10000x128xf32, #tpu.memory_space<hbm>>) target(%dma_start3A_329 : memref<80x128xf32, #tpu.memory_space<vmem>>) offsets(%dma_start3A_330 : memref<80xi32, #tpu.memory_space<vmem>>) semaphore(%arg15 : memref<!tpu.dma_semaphore, #tpu.memory_space<semaphore_mem>>)
      } else {
      }
      %mul3A_160 = arith.constant 5 : i32
      %mul3A_161 = arith.muli %add3A_127, %mul3A_160 : i32
      %add3A_162 = arith.constant 1 : i32
      %add3A_163 = arith.addi %mul3A_161, %add3A_162 : i32
      %mul3A_164 = arith.constant 80 : i32
      %mul3A_165 = arith.muli %add3A_163, %mul3A_164 : i32
      %dma_wait3A_166 = arith.constant 1 : i32
      %dma_wait3A_167 = arith.constant 0 : i32
      %dma_wait3A_168 = arith.constant 0 : i32
      %dma_wait3A_169 = tpu.memref_slice %arg11[%dma_wait3A_166, %dma_wait3A_167, %dma_wait3A_168] : memref<5x80x128xf32, #tpu.memory_space<vmem>> -> memref<1x80x128xf32, #tpu.memory_space<vmem>>
      %dma_wait3A_170 = tpu.memref_squeeze %dma_wait3A_169 : memref<1x80x128xf32, #tpu.memory_space<vmem>> -> memref<80x128xf32, #tpu.memory_space<vmem>>
      %dma_wait3A_171 = tpu.memref_slice %arg9[%mul3A_165] : memref<10000xi32, #tpu.memory_space<vmem>> -> memref<80xi32, #tpu.memory_space<vmem>>
      %dma_wait3A_172 = arith.constant 0 : i32
      %dma_wait3A_173 = arith.constant 0 : i32
      %dma_wait3A_174 = tpu.memref_slice %arg2[%dma_wait3A_172, %dma_wait3A_173] : memref<10000x128xf32, #tpu.memory_space<hbm>> -> memref<10000x128xf32, #tpu.memory_space<hbm>>
      tpu.wait_indirect_dma semaphore(%arg14 : memref<!tpu.dma_semaphore, #tpu.memory_space<semaphore_mem>>) src(%dma_wait3A_174 : memref<10000x128xf32, #tpu.memory_space<hbm>>) dst(%dma_wait3A_170 : memref<80x128xf32, #tpu.memory_space<vmem>>)
      %mul3A_175 = arith.constant 80 : i32
      %mul3A_176 = arith.muli %add3A_163, %mul3A_175 : i32
      %dma_start3A_177 = arith.constant 1 : i32
      %dma_start3A_178 = arith.constant 0 : i32
      %dma_start3A_179 = arith.constant 0 : i32
      %dma_start3A_180 = tpu.memref_slice %arg11[%dma_start3A_177, %dma_start3A_178, %dma_start3A_179] : memref<5x80x128xf32, #tpu.memory_space<vmem>> -> memref<1x80x128xf32, #tpu.memory_space<vmem>>
      %dma_start3A_181 = tpu.memref_squeeze %dma_start3A_180 : memref<1x80x128xf32, #tpu.memory_space<vmem>> -> memref<80x128xf32, #tpu.memory_space<vmem>>
      %dma_start3A_182 = tpu.memref_slice %arg10[%mul3A_176] : memref<10000xi32, #tpu.memory_space<vmem>> -> memref<80xi32, #tpu.memory_space<vmem>>
      %dma_start3A_183 = arith.constant 0 : i32
      %dma_start3A_184 = arith.constant 0 : i32
      %dma_start3A_185 = tpu.memref_slice %arg8[%dma_start3A_183, %dma_start3A_184] : memref<5120x128xf32, #tpu.memory_space<vmem_shared>> -> memref<5120x128xf32, #tpu.memory_space<vmem_shared>>
      tpu.enqueue_indirect_dma source(%dma_start3A_181 : memref<80x128xf32, #tpu.memory_space<vmem>>) target(%dma_start3A_185 : memref<5120x128xf32, #tpu.memory_space<vmem_shared>>) offsets(%dma_start3A_182 : memref<80xi32, #tpu.memory_space<vmem>>) semaphore(%arg19 : memref<!tpu.dma_semaphore, #tpu.memory_space<semaphore_mem>>) {add = true}
      %add3A_186 = arith.constant 2 : i32
      %add3A_187 = arith.addi %add3A_163, %add3A_186 : i32
      %sub3A_188 = arith.constant 5 : i32
      %sub3A_189 = arith.subi %add3A_187, %sub3A_188 : i32
      %ge3A_190 = arith.constant 5 : i32
      %ge3A_191 = arith.cmpi sge, %add3A_187, %ge3A_190 : i32
      %lt3A_192 = arith.constant 125 : i32
      %lt3A_193 = arith.cmpi slt, %add3A_187, %lt3A_192 : i32
      %and3A_194 = arith.andi %ge3A_191, %lt3A_193 : i1
      %convert_element_type3A_195 = arith.extui %and3A_194 : i1 to i32
      %cond3A_196 = arith.constant 0 : i32
      %cond3A_197 = arith.cmpi ne, %convert_element_type3A_195, %cond3A_196 : i32
      scf.if %cond3A_197 {
        %mul3A_312 = arith.constant 80 : i32
        %mul3A_313 = arith.muli %sub3A_189, %mul3A_312 : i32
        %dma_wait3A_314 = arith.constant 3 : i32
        %dma_wait3A_315 = arith.constant 0 : i32
        %dma_wait3A_316 = arith.constant 0 : i32
        %dma_wait3A_317 = tpu.memref_slice %arg11[%dma_wait3A_314, %dma_wait3A_315, %dma_wait3A_316] : memref<5x80x128xf32, #tpu.memory_space<vmem>> -> memref<1x80x128xf32, #tpu.memory_space<vmem>>
        %dma_wait3A_318 = tpu.memref_squeeze %dma_wait3A_317 : memref<1x80x128xf32, #tpu.memory_space<vmem>> -> memref<80x128xf32, #tpu.memory_space<vmem>>
        %dma_wait3A_319 = tpu.memref_slice %arg10[%mul3A_313] : memref<10000xi32, #tpu.memory_space<vmem>> -> memref<80xi32, #tpu.memory_space<vmem>>
        %dma_wait3A_320 = arith.constant 0 : i32
        %dma_wait3A_321 = arith.constant 0 : i32
        %dma_wait3A_322 = tpu.memref_slice %arg8[%dma_wait3A_320, %dma_wait3A_321] : memref<5120x128xf32, #tpu.memory_space<vmem_shared>> -> memref<5120x128xf32, #tpu.memory_space<vmem_shared>>
        tpu.wait_indirect_dma semaphore(%arg21 : memref<!tpu.dma_semaphore, #tpu.memory_space<semaphore_mem>>) src(%dma_wait3A_318 : memref<80x128xf32, #tpu.memory_space<vmem>>) dst(%dma_wait3A_322 : memref<5120x128xf32, #tpu.memory_space<vmem_shared>>)
        %mul3A_323 = arith.constant 80 : i32
        %mul3A_324 = arith.muli %add3A_187, %mul3A_323 : i32
        %dma_start3A_325 = arith.constant 3 : i32
        %dma_start3A_326 = arith.constant 0 : i32
        %dma_start3A_327 = arith.constant 0 : i32
        %dma_start3A_328 = tpu.memref_slice %arg11[%dma_start3A_325, %dma_start3A_326, %dma_start3A_327] : memref<5x80x128xf32, #tpu.memory_space<vmem>> -> memref<1x80x128xf32, #tpu.memory_space<vmem>>
        %dma_start3A_329 = tpu.memref_squeeze %dma_start3A_328 : memref<1x80x128xf32, #tpu.memory_space<vmem>> -> memref<80x128xf32, #tpu.memory_space<vmem>>
        %dma_start3A_330 = tpu.memref_slice %arg9[%mul3A_324] : memref<10000xi32, #tpu.memory_space<vmem>> -> memref<80xi32, #tpu.memory_space<vmem>>
        %dma_start3A_331 = arith.constant 0 : i32
        %dma_start3A_332 = arith.constant 0 : i32
        %dma_start3A_333 = tpu.memref_slice %arg2[%dma_start3A_331, %dma_start3A_332] : memref<10000x128xf32, #tpu.memory_space<hbm>> -> memref<10000x128xf32, #tpu.memory_space<hbm>>
        tpu.enqueue_indirect_dma source(%dma_start3A_333 : memref<10000x128xf32, #tpu.memory_space<hbm>>) target(%dma_start3A_329 : memref<80x128xf32, #tpu.memory_space<vmem>>) offsets(%dma_start3A_330 : memref<80xi32, #tpu.memory_space<vmem>>) semaphore(%arg16 : memref<!tpu.dma_semaphore, #tpu.memory_space<semaphore_mem>>)
      } else {
      }
      %mul3A_198 = arith.constant 5 : i32
      %mul3A_199 = arith.muli %add3A_127, %mul3A_198 : i32
      %add3A_200 = arith.constant 2 : i32
      %add3A_201 = arith.addi %mul3A_199, %add3A_200 : i32
      %mul3A_202 = arith.constant 80 : i32
      %mul3A_203 = arith.muli %add3A_201, %mul3A_202 : i32
      %dma_wait3A_204 = arith.constant 2 : i32
      %dma_wait3A_205 = arith.constant 0 : i32
      %dma_wait3A_206 = arith.constant 0 : i32
      %dma_wait3A_207 = tpu.memref_slice %arg11[%dma_wait3A_204, %dma_wait3A_205, %dma_wait3A_206] : memref<5x80x128xf32, #tpu.memory_space<vmem>> -> memref<1x80x128xf32, #tpu.memory_space<vmem>>
      %dma_wait3A_208 = tpu.memref_squeeze %dma_wait3A_207 : memref<1x80x128xf32, #tpu.memory_space<vmem>> -> memref<80x128xf32, #tpu.memory_space<vmem>>
      %dma_wait3A_209 = tpu.memref_slice %arg9[%mul3A_203] : memref<10000xi32, #tpu.memory_space<vmem>> -> memref<80xi32, #tpu.memory_space<vmem>>
      %dma_wait3A_210 = arith.constant 0 : i32
      %dma_wait3A_211 = arith.constant 0 : i32
      %dma_wait3A_212 = tpu.memref_slice %arg2[%dma_wait3A_210, %dma_wait3A_211] : memref<10000x128xf32, #tpu.memory_space<hbm>> -> memref<10000x128xf32, #tpu.memory_space<hbm>>
      tpu.wait_indirect_dma semaphore(%arg15 : memref<!tpu.dma_semaphore, #tpu.memory_space<semaphore_mem>>) src(%dma_wait3A_212 : memref<10000x128xf32, #tpu.memory_space<hbm>>) dst(%dma_wait3A_208 : memref<80x128xf32, #tpu.memory_space<vmem>>)
      %mul3A_213 = arith.constant 80 : i32
      %mul3A_214 = arith.muli %add3A_201, %mul3A_213 : i32
      %dma_start3A_215 = arith.constant 2 : i32
      %dma_start3A_216 = arith.constant 0 : i32
      %dma_start3A_217 = arith.constant 0 : i32
      %dma_start3A_218 = tpu.memref_slice %arg11[%dma_start3A_215, %dma_start3A_216, %dma_start3A_217] : memref<5x80x128xf32, #tpu.memory_space<vmem>> -> memref<1x80x128xf32, #tpu.memory_space<vmem>>
      %dma_start3A_219 = tpu.memref_squeeze %dma_start3A_218 : memref<1x80x128xf32, #tpu.memory_space<vmem>> -> memref<80x128xf32, #tpu.memory_space<vmem>>
      %dma_start3A_220 = tpu.memref_slice %arg10[%mul3A_214] : memref<10000xi32, #tpu.memory_space<vmem>> -> memref<80xi32, #tpu.memory_space<vmem>>
      %dma_start3A_221 = arith.constant 0 : i32
      %dma_start3A_222 = arith.constant 0 : i32
      %dma_start3A_223 = tpu.memref_slice %arg8[%dma_start3A_221, %dma_start3A_222] : memref<5120x128xf32, #tpu.memory_space<vmem_shared>> -> memref<5120x128xf32, #tpu.memory_space<vmem_shared>>
      tpu.enqueue_indirect_dma source(%dma_start3A_219 : memref<80x128xf32, #tpu.memory_space<vmem>>) target(%dma_start3A_223 : memref<5120x128xf32, #tpu.memory_space<vmem_shared>>) offsets(%dma_start3A_220 : memref<80xi32, #tpu.memory_space<vmem>>) semaphore(%arg20 : memref<!tpu.dma_semaphore, #tpu.memory_space<semaphore_mem>>) {add = true}
      %add3A_224 = arith.constant 2 : i32
      %add3A_225 = arith.addi %add3A_201, %add3A_224 : i32
      %sub3A_226 = arith.constant 5 : i32
      %sub3A_227 = arith.subi %add3A_225, %sub3A_226 : i32
      %ge3A_228 = arith.constant 5 : i32
      %ge3A_229 = arith.cmpi sge, %add3A_225, %ge3A_228 : i32
      %lt3A_230 = arith.constant 125 : i32
      %lt3A_231 = arith.cmpi slt, %add3A_225, %lt3A_230 : i32
      %and3A_232 = arith.andi %ge3A_229, %lt3A_231 : i1
      %convert_element_type3A_233 = arith.extui %and3A_232 : i1 to i32
      %cond3A_234 = arith.constant 0 : i32
      %cond3A_235 = arith.cmpi ne, %convert_element_type3A_233, %cond3A_234 : i32
      scf.if %cond3A_235 {
        %mul3A_312 = arith.constant 80 : i32
        %mul3A_313 = arith.muli %sub3A_227, %mul3A_312 : i32
        %dma_wait3A_314 = arith.constant 4 : i32
        %dma_wait3A_315 = arith.constant 0 : i32
        %dma_wait3A_316 = arith.constant 0 : i32
        %dma_wait3A_317 = tpu.memref_slice %arg11[%dma_wait3A_314, %dma_wait3A_315, %dma_wait3A_316] : memref<5x80x128xf32, #tpu.memory_space<vmem>> -> memref<1x80x128xf32, #tpu.memory_space<vmem>>
        %dma_wait3A_318 = tpu.memref_squeeze %dma_wait3A_317 : memref<1x80x128xf32, #tpu.memory_space<vmem>> -> memref<80x128xf32, #tpu.memory_space<vmem>>
        %dma_wait3A_319 = tpu.memref_slice %arg10[%mul3A_313] : memref<10000xi32, #tpu.memory_space<vmem>> -> memref<80xi32, #tpu.memory_space<vmem>>
        %dma_wait3A_320 = arith.constant 0 : i32
        %dma_wait3A_321 = arith.constant 0 : i32
        %dma_wait3A_322 = tpu.memref_slice %arg8[%dma_wait3A_320, %dma_wait3A_321] : memref<5120x128xf32, #tpu.memory_space<vmem_shared>> -> memref<5120x128xf32, #tpu.memory_space<vmem_shared>>
        tpu.wait_indirect_dma semaphore(%arg22 : memref<!tpu.dma_semaphore, #tpu.memory_space<semaphore_mem>>) src(%dma_wait3A_318 : memref<80x128xf32, #tpu.memory_space<vmem>>) dst(%dma_wait3A_322 : memref<5120x128xf32, #tpu.memory_space<vmem_shared>>)
        %mul3A_323 = arith.constant 80 : i32
        %mul3A_324 = arith.muli %add3A_225, %mul3A_323 : i32
        %dma_start3A_325 = arith.constant 4 : i32
        %dma_start3A_326 = arith.constant 0 : i32
        %dma_start3A_327 = arith.constant 0 : i32
        %dma_start3A_328 = tpu.memref_slice %arg11[%dma_start3A_325, %dma_start3A_326, %dma_start3A_327] : memref<5x80x128xf32, #tpu.memory_space<vmem>> -> memref<1x80x128xf32, #tpu.memory_space<vmem>>
        %dma_start3A_329 = tpu.memref_squeeze %dma_start3A_328 : memref<1x80x128xf32, #tpu.memory_space<vmem>> -> memref<80x128xf32, #tpu.memory_space<vmem>>
        %dma_start3A_330 = tpu.memref_slice %arg9[%mul3A_324] : memref<10000xi32, #tpu.memory_space<vmem>> -> memref<80xi32, #tpu.memory_space<vmem>>
        %dma_start3A_331 = arith.constant 0 : i32
        %dma_start3A_332 = arith.constant 0 : i32
        %dma_start3A_333 = tpu.memref_slice %arg2[%dma_start3A_331, %dma_start3A_332] : memref<10000x128xf32, #tpu.memory_space<hbm>> -> memref<10000x128xf32, #tpu.memory_space<hbm>>
        tpu.enqueue_indirect_dma source(%dma_start3A_333 : memref<10000x128xf32, #tpu.memory_space<hbm>>) target(%dma_start3A_329 : memref<80x128xf32, #tpu.memory_space<vmem>>) offsets(%dma_start3A_330 : memref<80xi32, #tpu.memory_space<vmem>>) semaphore(%arg17 : memref<!tpu.dma_semaphore, #tpu.memory_space<semaphore_mem>>)
      } else {
      }
      %mul3A_236 = arith.constant 5 : i32
      %mul3A_237 = arith.muli %add3A_127, %mul3A_236 : i32
      %add3A_238 = arith.constant 3 : i32
      %add3A_239 = arith.addi %mul3A_237, %add3A_238 : i32
      %mul3A_240 = arith.constant 80 : i32
      %mul3A_241 = arith.muli %add3A_239, %mul3A_240 : i32
      %dma_wait3A_242 = arith.constant 3 : i32
      %dma_wait3A_243 = arith.constant 0 : i32
      %dma_wait3A_244 = arith.constant 0 : i32
      %dma_wait3A_245 = tpu.memref_slice %arg11[%dma_wait3A_242, %dma_wait3A_243, %dma_wait3A_244] : memref<5x80x128xf32, #tpu.memory_space<vmem>> -> memref<1x80x128xf32, #tpu.memory_space<vmem>>
      %dma_wait3A_246 = tpu.memref_squeeze %dma_wait3A_245 : memref<1x80x128xf32, #tpu.memory_space<vmem>> -> memref<80x128xf32, #tpu.memory_space<vmem>>
      %dma_wait3A_247 = tpu.memref_slice %arg9[%mul3A_241] : memref<10000xi32, #tpu.memory_space<vmem>> -> memref<80xi32, #tpu.memory_space<vmem>>
      %dma_wait3A_248 = arith.constant 0 : i32
      %dma_wait3A_249 = arith.constant 0 : i32
      %dma_wait3A_250 = tpu.memref_slice %arg2[%dma_wait3A_248, %dma_wait3A_249] : memref<10000x128xf32, #tpu.memory_space<hbm>> -> memref<10000x128xf32, #tpu.memory_space<hbm>>
      tpu.wait_indirect_dma semaphore(%arg16 : memref<!tpu.dma_semaphore, #tpu.memory_space<semaphore_mem>>) src(%dma_wait3A_250 : memref<10000x128xf32, #tpu.memory_space<hbm>>) dst(%dma_wait3A_246 : memref<80x128xf32, #tpu.memory_space<vmem>>)
      %mul3A_251 = arith.constant 80 : i32
      %mul3A_252 = arith.muli %add3A_239, %mul3A_251 : i32
      %dma_start3A_253 = arith.constant 3 : i32
      %dma_start3A_254 = arith.constant 0 : i32
      %dma_start3A_255 = arith.constant 0 : i32
      %dma_start3A_256 = tpu.memref_slice %arg11[%dma_start3A_253, %dma_start3A_254, %dma_start3A_255] : memref<5x80x128xf32, #tpu.memory_space<vmem>> -> memref<1x80x128xf32, #tpu.memory_space<vmem>>
      %dma_start3A_257 = tpu.memref_squeeze %dma_start3A_256 : memref<1x80x128xf32, #tpu.memory_space<vmem>> -> memref<80x128xf32, #tpu.memory_space<vmem>>
      %dma_start3A_258 = tpu.memref_slice %arg10[%mul3A_252] : memref<10000xi32, #tpu.memory_space<vmem>> -> memref<80xi32, #tpu.memory_space<vmem>>
      %dma_start3A_259 = arith.constant 0 : i32
      %dma_start3A_260 = arith.constant 0 : i32
      %dma_start3A_261 = tpu.memref_slice %arg8[%dma_start3A_259, %dma_start3A_260] : memref<5120x128xf32, #tpu.memory_space<vmem_shared>> -> memref<5120x128xf32, #tpu.memory_space<vmem_shared>>
      tpu.enqueue_indirect_dma source(%dma_start3A_257 : memref<80x128xf32, #tpu.memory_space<vmem>>) target(%dma_start3A_261 : memref<5120x128xf32, #tpu.memory_space<vmem_shared>>) offsets(%dma_start3A_258 : memref<80xi32, #tpu.memory_space<vmem>>) semaphore(%arg21 : memref<!tpu.dma_semaphore, #tpu.memory_space<semaphore_mem>>) {add = true}
      %add3A_262 = arith.constant 2 : i32
      %add3A_263 = arith.addi %add3A_239, %add3A_262 : i32
      %sub3A_264 = arith.constant 5 : i32
      %sub3A_265 = arith.subi %add3A_263, %sub3A_264 : i32
      %ge3A_266 = arith.constant 5 : i32
      %ge3A_267 = arith.cmpi sge, %add3A_263, %ge3A_266 : i32
      %lt3A_268 = arith.constant 125 : i32
      %lt3A_269 = arith.cmpi slt, %add3A_263, %lt3A_268 : i32
      %and3A_270 = arith.andi %ge3A_267, %lt3A_269 : i1
      %convert_element_type3A_271 = arith.extui %and3A_270 : i1 to i32
      %cond3A_272 = arith.constant 0 : i32
      %cond3A_273 = arith.cmpi ne, %convert_element_type3A_271, %cond3A_272 : i32
      scf.if %cond3A_273 {
        %mul3A_312 = arith.constant 80 : i32
        %mul3A_313 = arith.muli %sub3A_265, %mul3A_312 : i32
        %dma_wait3A_314 = arith.constant 0 : i32
        %dma_wait3A_315 = arith.constant 0 : i32
        %dma_wait3A_316 = arith.constant 0 : i32
        %dma_wait3A_317 = tpu.memref_slice %arg11[%dma_wait3A_314, %dma_wait3A_315, %dma_wait3A_316] : memref<5x80x128xf32, #tpu.memory_space<vmem>> -> memref<1x80x128xf32, #tpu.memory_space<vmem>>
        %dma_wait3A_318 = tpu.memref_squeeze %dma_wait3A_317 : memref<1x80x128xf32, #tpu.memory_space<vmem>> -> memref<80x128xf32, #tpu.memory_space<vmem>>
        %dma_wait3A_319 = tpu.memref_slice %arg10[%mul3A_313] : memref<10000xi32, #tpu.memory_space<vmem>> -> memref<80xi32, #tpu.memory_space<vmem>>
        %dma_wait3A_320 = arith.constant 0 : i32
        %dma_wait3A_321 = arith.constant 0 : i32
        %dma_wait3A_322 = tpu.memref_slice %arg8[%dma_wait3A_320, %dma_wait3A_321] : memref<5120x128xf32, #tpu.memory_space<vmem_shared>> -> memref<5120x128xf32, #tpu.memory_space<vmem_shared>>
        tpu.wait_indirect_dma semaphore(%arg18 : memref<!tpu.dma_semaphore, #tpu.memory_space<semaphore_mem>>) src(%dma_wait3A_318 : memref<80x128xf32, #tpu.memory_space<vmem>>) dst(%dma_wait3A_322 : memref<5120x128xf32, #tpu.memory_space<vmem_shared>>)
        %mul3A_323 = arith.constant 80 : i32
        %mul3A_324 = arith.muli %add3A_263, %mul3A_323 : i32
        %dma_start3A_325 = arith.constant 0 : i32
        %dma_start3A_326 = arith.constant 0 : i32
        %dma_start3A_327 = arith.constant 0 : i32
        %dma_start3A_328 = tpu.memref_slice %arg11[%dma_start3A_325, %dma_start3A_326, %dma_start3A_327] : memref<5x80x128xf32, #tpu.memory_space<vmem>> -> memref<1x80x128xf32, #tpu.memory_space<vmem>>
        %dma_start3A_329 = tpu.memref_squeeze %dma_start3A_328 : memref<1x80x128xf32, #tpu.memory_space<vmem>> -> memref<80x128xf32, #tpu.memory_space<vmem>>
        %dma_start3A_330 = tpu.memref_slice %arg9[%mul3A_324] : memref<10000xi32, #tpu.memory_space<vmem>> -> memref<80xi32, #tpu.memory_space<vmem>>
        %dma_start3A_331 = arith.constant 0 : i32
        %dma_start3A_332 = arith.constant 0 : i32
        %dma_start3A_333 = tpu.memref_slice %arg2[%dma_start3A_331, %dma_start3A_332] : memref<10000x128xf32, #tpu.memory_space<hbm>> -> memref<10000x128xf32, #tpu.memory_space<hbm>>
        tpu.enqueue_indirect_dma source(%dma_start3A_333 : memref<10000x128xf32, #tpu.memory_space<hbm>>) target(%dma_start3A_329 : memref<80x128xf32, #tpu.memory_space<vmem>>) offsets(%dma_start3A_330 : memref<80xi32, #tpu.memory_space<vmem>>) semaphore(%arg13 : memref<!tpu.dma_semaphore, #tpu.memory_space<semaphore_mem>>)
      } else {
      }
      %mul3A_274 = arith.constant 5 : i32
      %mul3A_275 = arith.muli %add3A_127, %mul3A_274 : i32
      %add3A_276 = arith.constant 4 : i32
      %add3A_277 = arith.addi %mul3A_275, %add3A_276 : i32
      %mul3A_278 = arith.constant 80 : i32
      %mul3A_279 = arith.muli %add3A_277, %mul3A_278 : i32
      %dma_wait3A_280 = arith.constant 4 : i32
      %dma_wait3A_281 = arith.constant 0 : i32
      %dma_wait3A_282 = arith.constant 0 : i32
      %dma_wait3A_283 = tpu.memref_slice %arg11[%dma_wait3A_280, %dma_wait3A_281, %dma_wait3A_282] : memref<5x80x128xf32, #tpu.memory_space<vmem>> -> memref<1x80x128xf32, #tpu.memory_space<vmem>>
      %dma_wait3A_284 = tpu.memref_squeeze %dma_wait3A_283 : memref<1x80x128xf32, #tpu.memory_space<vmem>> -> memref<80x128xf32, #tpu.memory_space<vmem>>
      %dma_wait3A_285 = tpu.memref_slice %arg9[%mul3A_279] : memref<10000xi32, #tpu.memory_space<vmem>> -> memref<80xi32, #tpu.memory_space<vmem>>
      %dma_wait3A_286 = arith.constant 0 : i32
      %dma_wait3A_287 = arith.constant 0 : i32
      %dma_wait3A_288 = tpu.memref_slice %arg2[%dma_wait3A_286, %dma_wait3A_287] : memref<10000x128xf32, #tpu.memory_space<hbm>> -> memref<10000x128xf32, #tpu.memory_space<hbm>>
      tpu.wait_indirect_dma semaphore(%arg17 : memref<!tpu.dma_semaphore, #tpu.memory_space<semaphore_mem>>) src(%dma_wait3A_288 : memref<10000x128xf32, #tpu.memory_space<hbm>>) dst(%dma_wait3A_284 : memref<80x128xf32, #tpu.memory_space<vmem>>)
      %mul3A_289 = arith.constant 80 : i32
      %mul3A_290 = arith.muli %add3A_277, %mul3A_289 : i32
      %dma_start3A_291 = arith.constant 4 : i32
      %dma_start3A_292 = arith.constant 0 : i32
      %dma_start3A_293 = arith.constant 0 : i32
      %dma_start3A_294 = tpu.memref_slice %arg11[%dma_start3A_291, %dma_start3A_292, %dma_start3A_293] : memref<5x80x128xf32, #tpu.memory_space<vmem>> -> memref<1x80x128xf32, #tpu.memory_space<vmem>>
      %dma_start3A_295 = tpu.memref_squeeze %dma_start3A_294 : memref<1x80x128xf32, #tpu.memory_space<vmem>> -> memref<80x128xf32, #tpu.memory_space<vmem>>
      %dma_start3A_296 = tpu.memref_slice %arg10[%mul3A_290] : memref<10000xi32, #tpu.memory_space<vmem>> -> memref<80xi32, #tpu.memory_space<vmem>>
      %dma_start3A_297 = arith.constant 0 : i32
      %dma_start3A_298 = arith.constant 0 : i32
      %dma_start3A_299 = tpu.memref_slice %arg8[%dma_start3A_297, %dma_start3A_298] : memref<5120x128xf32, #tpu.memory_space<vmem_shared>> -> memref<5120x128xf32, #tpu.memory_space<vmem_shared>>
      tpu.enqueue_indirect_dma source(%dma_start3A_295 : memref<80x128xf32, #tpu.memory_space<vmem>>) target(%dma_start3A_299 : memref<5120x128xf32, #tpu.memory_space<vmem_shared>>) offsets(%dma_start3A_296 : memref<80xi32, #tpu.memory_space<vmem>>) semaphore(%arg22 : memref<!tpu.dma_semaphore, #tpu.memory_space<semaphore_mem>>) {add = true}
      %add3A_300 = arith.constant 2 : i32
      %add3A_301 = arith.addi %add3A_277, %add3A_300 : i32
      %sub3A_302 = arith.constant 5 : i32
      %sub3A_303 = arith.subi %add3A_301, %sub3A_302 : i32
      %ge3A_304 = arith.constant 5 : i32
      %ge3A_305 = arith.cmpi sge, %add3A_301, %ge3A_304 : i32
      %lt3A_306 = arith.constant 125 : i32
      %lt3A_307 = arith.cmpi slt, %add3A_301, %lt3A_306 : i32
      %and3A_308 = arith.andi %ge3A_305, %lt3A_307 : i1
      %convert_element_type3A_309 = arith.extui %and3A_308 : i1 to i32
      %cond3A_310 = arith.constant 0 : i32
      %cond3A_311 = arith.cmpi ne, %convert_element_type3A_309, %cond3A_310 : i32
      scf.if %cond3A_311 {
        %mul3A_312 = arith.constant 80 : i32
        %mul3A_313 = arith.muli %sub3A_303, %mul3A_312 : i32
        %dma_wait3A_314 = arith.constant 1 : i32
        %dma_wait3A_315 = arith.constant 0 : i32
        %dma_wait3A_316 = arith.constant 0 : i32
        %dma_wait3A_317 = tpu.memref_slice %arg11[%dma_wait3A_314, %dma_wait3A_315, %dma_wait3A_316] : memref<5x80x128xf32, #tpu.memory_space<vmem>> -> memref<1x80x128xf32, #tpu.memory_space<vmem>>
        %dma_wait3A_318 = tpu.memref_squeeze %dma_wait3A_317 : memref<1x80x128xf32, #tpu.memory_space<vmem>> -> memref<80x128xf32, #tpu.memory_space<vmem>>
        %dma_wait3A_319 = tpu.memref_slice %arg10[%mul3A_313] : memref<10000xi32, #tpu.memory_space<vmem>> -> memref<80xi32, #tpu.memory_space<vmem>>
        %dma_wait3A_320 = arith.constant 0 : i32
        %dma_wait3A_321 = arith.constant 0 : i32
        %dma_wait3A_322 = tpu.memref_slice %arg8[%dma_wait3A_320, %dma_wait3A_321] : memref<5120x128xf32, #tpu.memory_space<vmem_shared>> -> memref<5120x128xf32, #tpu.memory_space<vmem_shared>>
        tpu.wait_indirect_dma semaphore(%arg19 : memref<!tpu.dma_semaphore, #tpu.memory_space<semaphore_mem>>) src(%dma_wait3A_318 : memref<80x128xf32, #tpu.memory_space<vmem>>) dst(%dma_wait3A_322 : memref<5120x128xf32, #tpu.memory_space<vmem_shared>>)
        %mul3A_323 = arith.constant 80 : i32
        %mul3A_324 = arith.muli %add3A_301, %mul3A_323 : i32
        %dma_start3A_325 = arith.constant 1 : i32
        %dma_start3A_326 = arith.constant 0 : i32
        %dma_start3A_327 = arith.constant 0 : i32
        %dma_start3A_328 = tpu.memref_slice %arg11[%dma_start3A_325, %dma_start3A_326, %dma_start3A_327] : memref<5x80x128xf32, #tpu.memory_space<vmem>> -> memref<1x80x128xf32, #tpu.memory_space<vmem>>
        %dma_start3A_329 = tpu.memref_squeeze %dma_start3A_328 : memref<1x80x128xf32, #tpu.memory_space<vmem>> -> memref<80x128xf32, #tpu.memory_space<vmem>>
        %dma_start3A_330 = tpu.memref_slice %arg9[%mul3A_324] : memref<10000xi32, #tpu.memory_space<vmem>> -> memref<80xi32, #tpu.memory_space<vmem>>
        %dma_start3A_331 = arith.constant 0 : i32
        %dma_start3A_332 = arith.constant 0 : i32
        %dma_start3A_333 = tpu.memref_slice %arg2[%dma_start3A_331, %dma_start3A_332] : memref<10000x128xf32, #tpu.memory_space<hbm>> -> memref<10000x128xf32, #tpu.memory_space<hbm>>
        tpu.enqueue_indirect_dma source(%dma_start3A_333 : memref<10000x128xf32, #tpu.memory_space<hbm>>) target(%dma_start3A_329 : memref<80x128xf32, #tpu.memory_space<vmem>>) offsets(%dma_start3A_330 : memref<80xi32, #tpu.memory_space<vmem>>) semaphore(%arg14 : memref<!tpu.dma_semaphore, #tpu.memory_space<semaphore_mem>>)
      } else {
      }
    }
    %scan3A_66 = arith.constant 25 : i32
    %dma_wait3A = arith.constant 0 : i32
    %dma_wait3A_67 = arith.constant 0 : i32
    %dma_wait3A_68 = arith.constant 0 : i32
    %dma_wait3A_69 = tpu.memref_slice %arg11[%dma_wait3A, %dma_wait3A_67, %dma_wait3A_68] : memref<5x80x128xf32, #tpu.memory_space<vmem>> -> memref<1x80x128xf32, #tpu.memory_space<vmem>>
    %dma_wait3A_70 = tpu.memref_squeeze %dma_wait3A_69 : memref<1x80x128xf32, #tpu.memory_space<vmem>> -> memref<80x128xf32, #tpu.memory_space<vmem>>
    %dma_wait3A_71 = arith.constant 9600 : i32
    %dma_wait3A_72 = tpu.memref_slice %arg10[%dma_wait3A_71] : memref<10000xi32, #tpu.memory_space<vmem>> -> memref<80xi32, #tpu.memory_space<vmem>>
    %dma_wait3A_73 = arith.constant 0 : i32
    %dma_wait3A_74 = arith.constant 0 : i32
    %dma_wait3A_75 = tpu.memref_slice %arg8[%dma_wait3A_73, %dma_wait3A_74] : memref<5120x128xf32, #tpu.memory_space<vmem_shared>> -> memref<5120x128xf32, #tpu.memory_space<vmem_shared>>
    tpu.wait_indirect_dma semaphore(%arg18 : memref<!tpu.dma_semaphore, #tpu.memory_space<semaphore_mem>>) src(%dma_wait3A_70 : memref<80x128xf32, #tpu.memory_space<vmem>>) dst(%dma_wait3A_75 : memref<5120x128xf32, #tpu.memory_space<vmem_shared>>)
    %dma_wait3A_76 = arith.constant 1 : i32
    %dma_wait3A_77 = arith.constant 0 : i32
    %dma_wait3A_78 = arith.constant 0 : i32
    %dma_wait3A_79 = tpu.memref_slice %arg11[%dma_wait3A_76, %dma_wait3A_77, %dma_wait3A_78] : memref<5x80x128xf32, #tpu.memory_space<vmem>> -> memref<1x80x128xf32, #tpu.memory_space<vmem>>
    %dma_wait3A_80 = tpu.memref_squeeze %dma_wait3A_79 : memref<1x80x128xf32, #tpu.memory_space<vmem>> -> memref<80x128xf32, #tpu.memory_space<vmem>>
    %dma_wait3A_81 = arith.constant 9680 : i32
    %dma_wait3A_82 = tpu.memref_slice %arg10[%dma_wait3A_81] : memref<10000xi32, #tpu.memory_space<vmem>> -> memref<80xi32, #tpu.memory_space<vmem>>
    %dma_wait3A_83 = arith.constant 0 : i32
    %dma_wait3A_84 = arith.constant 0 : i32
    %dma_wait3A_85 = tpu.memref_slice %arg8[%dma_wait3A_83, %dma_wait3A_84] : memref<5120x128xf32, #tpu.memory_space<vmem_shared>> -> memref<5120x128xf32, #tpu.memory_space<vmem_shared>>
    tpu.wait_indirect_dma semaphore(%arg19 : memref<!tpu.dma_semaphore, #tpu.memory_space<semaphore_mem>>) src(%dma_wait3A_80 : memref<80x128xf32, #tpu.memory_space<vmem>>) dst(%dma_wait3A_85 : memref<5120x128xf32, #tpu.memory_space<vmem_shared>>)
    %dma_wait3A_86 = arith.constant 2 : i32
    %dma_wait3A_87 = arith.constant 0 : i32
    %dma_wait3A_88 = arith.constant 0 : i32
    %dma_wait3A_89 = tpu.memref_slice %arg11[%dma_wait3A_86, %dma_wait3A_87, %dma_wait3A_88] : memref<5x80x128xf32, #tpu.memory_space<vmem>> -> memref<1x80x128xf32, #tpu.memory_space<vmem>>
    %dma_wait3A_90 = tpu.memref_squeeze %dma_wait3A_89 : memref<1x80x128xf32, #tpu.memory_space<vmem>> -> memref<80x128xf32, #tpu.memory_space<vmem>>
    %dma_wait3A_91 = arith.constant 9760 : i32
    %dma_wait3A_92 = tpu.memref_slice %arg10[%dma_wait3A_91] : memref<10000xi32, #tpu.memory_space<vmem>> -> memref<80xi32, #tpu.memory_space<vmem>>
    %dma_wait3A_93 = arith.constant 0 : i32
    %dma_wait3A_94 = arith.constant 0 : i32
    %dma_wait3A_95 = tpu.memref_slice %arg8[%dma_wait3A_93, %dma_wait3A_94] : memref<5120x128xf32, #tpu.memory_space<vmem_shared>> -> memref<5120x128xf32, #tpu.memory_space<vmem_shared>>
    tpu.wait_indirect_dma semaphore(%arg20 : memref<!tpu.dma_semaphore, #tpu.memory_space<semaphore_mem>>) src(%dma_wait3A_90 : memref<80x128xf32, #tpu.memory_space<vmem>>) dst(%dma_wait3A_95 : memref<5120x128xf32, #tpu.memory_space<vmem_shared>>)
    %dma_wait3A_96 = arith.constant 3 : i32
    %dma_wait3A_97 = arith.constant 0 : i32
    %dma_wait3A_98 = arith.constant 0 : i32
    %dma_wait3A_99 = tpu.memref_slice %arg11[%dma_wait3A_96, %dma_wait3A_97, %dma_wait3A_98] : memref<5x80x128xf32, #tpu.memory_space<vmem>> -> memref<1x80x128xf32, #tpu.memory_space<vmem>>
    %dma_wait3A_100 = tpu.memref_squeeze %dma_wait3A_99 : memref<1x80x128xf32, #tpu.memory_space<vmem>> -> memref<80x128xf32, #tpu.memory_space<vmem>>
    %dma_wait3A_101 = arith.constant 9840 : i32
    %dma_wait3A_102 = tpu.memref_slice %arg10[%dma_wait3A_101] : memref<10000xi32, #tpu.memory_space<vmem>> -> memref<80xi32, #tpu.memory_space<vmem>>
    %dma_wait3A_103 = arith.constant 0 : i32
    %dma_wait3A_104 = arith.constant 0 : i32
    %dma_wait3A_105 = tpu.memref_slice %arg8[%dma_wait3A_103, %dma_wait3A_104] : memref<5120x128xf32, #tpu.memory_space<vmem_shared>> -> memref<5120x128xf32, #tpu.memory_space<vmem_shared>>
    tpu.wait_indirect_dma semaphore(%arg21 : memref<!tpu.dma_semaphore, #tpu.memory_space<semaphore_mem>>) src(%dma_wait3A_100 : memref<80x128xf32, #tpu.memory_space<vmem>>) dst(%dma_wait3A_105 : memref<5120x128xf32, #tpu.memory_space<vmem_shared>>)
    %dma_wait3A_106 = arith.constant 4 : i32
    %dma_wait3A_107 = arith.constant 0 : i32
    %dma_wait3A_108 = arith.constant 0 : i32
    %dma_wait3A_109 = tpu.memref_slice %arg11[%dma_wait3A_106, %dma_wait3A_107, %dma_wait3A_108] : memref<5x80x128xf32, #tpu.memory_space<vmem>> -> memref<1x80x128xf32, #tpu.memory_space<vmem>>
    %dma_wait3A_110 = tpu.memref_squeeze %dma_wait3A_109 : memref<1x80x128xf32, #tpu.memory_space<vmem>> -> memref<80x128xf32, #tpu.memory_space<vmem>>
    %dma_wait3A_111 = arith.constant 9920 : i32
    %dma_wait3A_112 = tpu.memref_slice %arg10[%dma_wait3A_111] : memref<10000xi32, #tpu.memory_space<vmem>> -> memref<80xi32, #tpu.memory_space<vmem>>
    %dma_wait3A_113 = arith.constant 0 : i32
    %dma_wait3A_114 = arith.constant 0 : i32
    %dma_wait3A_115 = tpu.memref_slice %arg8[%dma_wait3A_113, %dma_wait3A_114] : memref<5120x128xf32, #tpu.memory_space<vmem_shared>> -> memref<5120x128xf32, #tpu.memory_space<vmem_shared>>
    tpu.wait_indirect_dma semaphore(%arg22 : memref<!tpu.dma_semaphore, #tpu.memory_space<semaphore_mem>>) src(%dma_wait3A_110 : memref<80x128xf32, #tpu.memory_space<vmem>>) dst(%dma_wait3A_115 : memref<5120x128xf32, #tpu.memory_space<vmem_shared>>)
    %barrier3A_116 = arith.constant 0 : index
    tpu.barrier barrier_id(%barrier3A_116)
    %mul3A_117 = arith.constant 320 : i32
    %mul3A_118 = arith.muli %arg1, %mul3A_117 : i32
    %mul3A_119 = arith.constant 320 : i32
    %mul3A_120 = arith.muli %arg1, %mul3A_119 : i32
    "tpu.region"() ({
      %run_scoped3A = tpu.sem_alloc : memref<!tpu.dma_semaphore, #tpu.memory_space<semaphore_mem>>
      %dma_start3A_123 = arith.constant 0 : i32
      %dma_start3A_124 = tpu.memref_slice %arg6[%arg0, %mul3A_120, %dma_start3A_123] : memref<2x5120x128xf32, #tpu.memory_space<hbm>> -> memref<1x320x128xf32, #tpu.memory_space<hbm>>
      %dma_start3A_125 = tpu.memref_squeeze %dma_start3A_124 : memref<1x320x128xf32, #tpu.memory_space<hbm>> -> memref<320x128xf32, #tpu.memory_space<hbm>>
      %dma_start3A_126 = arith.constant 0 : i32
      %dma_start3A_127 = tpu.memref_slice %arg8[%mul3A_118, %dma_start3A_126] : memref<5120x128xf32, #tpu.memory_space<vmem_shared>> -> memref<320x128xf32, #tpu.memory_space<vmem_shared>>
      tpu.enqueue_dma source(%dma_start3A_127 : memref<320x128xf32, #tpu.memory_space<vmem_shared>>) target(%dma_start3A_125 : memref<320x128xf32, #tpu.memory_space<hbm>>) target_semaphore(%run_scoped3A : memref<!tpu.dma_semaphore, #tpu.memory_space<semaphore_mem>>)
      %dma_wait3A_128 = arith.constant 0 : i32
      %dma_wait3A_129 = tpu.memref_slice %arg6[%arg0, %mul3A_120, %dma_wait3A_128] : memref<2x5120x128xf32, #tpu.memory_space<hbm>> -> memref<1x320x128xf32, #tpu.memory_space<hbm>>
      %dma_wait3A_130 = tpu.memref_squeeze %dma_wait3A_129 : memref<1x320x128xf32, #tpu.memory_space<hbm>> -> memref<320x128xf32, #tpu.memory_space<hbm>>
      %dma_wait3A_131 = arith.constant 0 : i32
      %dma_wait3A_132 = tpu.memref_slice %arg8[%mul3A_118, %dma_wait3A_131] : memref<5120x128xf32, #tpu.memory_space<vmem_shared>> -> memref<320x128xf32, #tpu.memory_space<vmem_shared>>
      tpu.wait_dma2 semaphore(%run_scoped3A : memref<!tpu.dma_semaphore, #tpu.memory_space<semaphore_mem>>) src(%dma_wait3A_132 : memref<320x128xf32, #tpu.memory_space<vmem_shared>>) dst(%dma_wait3A_130 : memref<320x128xf32, #tpu.memory_space<hbm>>)
      tpu.yield
    }) : () -> ()
    %mul3A_121 = arith.constant 5120 : i32
    %mul3A_122 = arith.muli %arg1, %mul3A_121 : i32
    "tpu.region"() ({
      %run_scoped3A = tpu.sem_alloc : memref<!tpu.dma_semaphore, #tpu.memory_space<semaphore_mem>>
      %dma_start3A_123 = tpu.memref_slice %arg7[%arg0, %mul3A_122] : memref<2x81920xf32, #tpu.memory_space<hbm>> -> memref<1x5120xf32, #tpu.memory_space<hbm>>
      %dma_start3A_124 = tpu.memref_squeeze %dma_start3A_123 : memref<1x5120xf32, #tpu.memory_space<hbm>> -> memref<5120xf32, #tpu.memory_space<hbm>>
      %dma_start3A_125 = tpu.memref_slice %arg7[%arg0, %mul3A_122] : memref<2x81920xf32, #tpu.memory_space<hbm>> -> memref<1x5120xf32, #tpu.memory_space<hbm>>
      %dma_start3A_126 = tpu.memref_squeeze %dma_start3A_125 : memref<1x5120xf32, #tpu.memory_space<hbm>> -> memref<5120xf32, #tpu.memory_space<hbm>>
      tpu.enqueue_dma source(%arg12 : memref<5120xf32, #tpu.memory_space<vmem>>) target(%dma_start3A_126 : memref<5120xf32, #tpu.memory_space<hbm>>) target_semaphore(%run_scoped3A : memref<!tpu.dma_semaphore, #tpu.memory_space<semaphore_mem>>)
      %dma_wait3A_127 = tpu.memref_slice %arg7[%arg0, %mul3A_122] : memref<2x81920xf32, #tpu.memory_space<hbm>> -> memref<1x5120xf32, #tpu.memory_space<hbm>>
      %dma_wait3A_128 = tpu.memref_squeeze %dma_wait3A_127 : memref<1x5120xf32, #tpu.memory_space<hbm>> -> memref<5120xf32, #tpu.memory_space<hbm>>
      %dma_wait3A_129 = tpu.memref_slice %arg7[%arg0, %mul3A_122] : memref<2x81920xf32, #tpu.memory_space<hbm>> -> memref<1x5120xf32, #tpu.memory_space<hbm>>
      %dma_wait3A_130 = tpu.memref_squeeze %dma_wait3A_129 : memref<1x5120xf32, #tpu.memory_space<hbm>> -> memref<5120xf32, #tpu.memory_space<hbm>>
      tpu.wait_dma2 semaphore(%run_scoped3A : memref<!tpu.dma_semaphore, #tpu.memory_space<semaphore_mem>>) src(%arg12 : memref<5120xf32, #tpu.memory_space<vmem>>) dst(%dma_wait3A_130 : memref<5120xf32, #tpu.memory_space<hbm>>)
      tpu.yield
    }) : () -> ()
    return
  }
}

#map = affine_map<(d0, d1) -> (0, 0)>
#map1 = affine_map<(d0, d1) -> (0, 0, 0)>
module attributes {stable_mosaic.version = 14 : i64} {
  func.func @_vertex_agg_body(%arg0: i32, %arg1: i32, %arg2: memref<5120x128xf32, #tpu.memory_space<hbm>>, %arg3: memref<32x10000xi32, #tpu.memory_space<hbm>>, %arg4: memref<32x10000xi32, #tpu.memory_space<hbm>>, %arg5: memref<632x128xf32, #tpu.memory_space<hbm>>, %arg6: memref<2x10112x128xf32, #tpu.memory_space<hbm>>, %arg7: memref<10112x128xf32, #tpu.memory_space<vmem_shared>>, %arg8: memref<10000xi32, #tpu.memory_space<vmem>>, %arg9: memref<10000xi32, #tpu.memory_space<vmem>>, %arg10: memref<5x40x128xf32, #tpu.memory_space<vmem>>, %arg11: memref<!tpu.dma_semaphore, #tpu.memory_space<semaphore_mem>>, %arg12: memref<!tpu.dma_semaphore, #tpu.memory_space<semaphore_mem>>, %arg13: memref<!tpu.dma_semaphore, #tpu.memory_space<semaphore_mem>>, %arg14: memref<!tpu.dma_semaphore, #tpu.memory_space<semaphore_mem>>, %arg15: memref<!tpu.dma_semaphore, #tpu.memory_space<semaphore_mem>>, %arg16: memref<!tpu.dma_semaphore, #tpu.memory_space<semaphore_mem>>, %arg17: memref<!tpu.dma_semaphore, #tpu.memory_space<semaphore_mem>>, %arg18: memref<!tpu.dma_semaphore, #tpu.memory_space<semaphore_mem>>, %arg19: memref<!tpu.dma_semaphore, #tpu.memory_space<semaphore_mem>>, %arg20: memref<!tpu.dma_semaphore, #tpu.memory_space<semaphore_mem>>) attributes {dimension_semantics = [#tpu.dimension_semantics<core_parallel>, #tpu.dimension_semantics<subcore_parallel>], iteration_bounds = array<i64: 2, 16>, scalar_prefetch = 0 : i64, scratch_operands = 14 : i64, tpu.core_type = #tpu.core_type<sc_vector_subcore>, window_params = [{transform_indices = #map}, {transform_indices = #map}, {transform_indices = #map}, {transform_indices = #map}, {transform_indices = #map1}]} {
    %mul3A = arith.constant 16 : i32
    %mul3A_0 = arith.muli %arg0, %mul3A : i32
    %add3A = arith.addi %mul3A_0, %arg1 : i32
    "tpu.region"() ({
      %run_scoped3A = tpu.sem_alloc : memref<!tpu.dma_semaphore, #tpu.memory_space<semaphore_mem>>
      %dma_start3A_110 = arith.constant 0 : i32
      %dma_start3A_111 = tpu.memref_slice %arg3[%add3A, %dma_start3A_110] : memref<32x10000xi32, #tpu.memory_space<hbm>> -> memref<1x10000xi32, #tpu.memory_space<hbm>>
      %dma_start3A_112 = tpu.memref_squeeze %dma_start3A_111 : memref<1x10000xi32, #tpu.memory_space<hbm>> -> memref<10000xi32, #tpu.memory_space<hbm>>
      %dma_start3A_113 = arith.constant 0 : i32
      %dma_start3A_114 = tpu.memref_slice %arg3[%add3A, %dma_start3A_113] : memref<32x10000xi32, #tpu.memory_space<hbm>> -> memref<1x10000xi32, #tpu.memory_space<hbm>>
      %dma_start3A_115 = tpu.memref_squeeze %dma_start3A_114 : memref<1x10000xi32, #tpu.memory_space<hbm>> -> memref<10000xi32, #tpu.memory_space<hbm>>
      tpu.enqueue_dma source(%dma_start3A_115 : memref<10000xi32, #tpu.memory_space<hbm>>) target(%arg8 : memref<10000xi32, #tpu.memory_space<vmem>>) target_semaphore(%run_scoped3A : memref<!tpu.dma_semaphore, #tpu.memory_space<semaphore_mem>>)
      %dma_wait3A_116 = arith.constant 0 : i32
      %dma_wait3A_117 = tpu.memref_slice %arg3[%add3A, %dma_wait3A_116] : memref<32x10000xi32, #tpu.memory_space<hbm>> -> memref<1x10000xi32, #tpu.memory_space<hbm>>
      %dma_wait3A_118 = tpu.memref_squeeze %dma_wait3A_117 : memref<1x10000xi32, #tpu.memory_space<hbm>> -> memref<10000xi32, #tpu.memory_space<hbm>>
      %dma_wait3A_119 = arith.constant 0 : i32
      %dma_wait3A_120 = tpu.memref_slice %arg3[%add3A, %dma_wait3A_119] : memref<32x10000xi32, #tpu.memory_space<hbm>> -> memref<1x10000xi32, #tpu.memory_space<hbm>>
      %dma_wait3A_121 = tpu.memref_squeeze %dma_wait3A_120 : memref<1x10000xi32, #tpu.memory_space<hbm>> -> memref<10000xi32, #tpu.memory_space<hbm>>
      tpu.wait_dma2 semaphore(%run_scoped3A : memref<!tpu.dma_semaphore, #tpu.memory_space<semaphore_mem>>) src(%dma_wait3A_121 : memref<10000xi32, #tpu.memory_space<hbm>>) dst(%arg8 : memref<10000xi32, #tpu.memory_space<vmem>>)
      tpu.yield
    }) : () -> ()
    "tpu.region"() ({
      %run_scoped3A = tpu.sem_alloc : memref<!tpu.dma_semaphore, #tpu.memory_space<semaphore_mem>>
      %dma_start3A_110 = arith.constant 0 : i32
      %dma_start3A_111 = tpu.memref_slice %arg4[%add3A, %dma_start3A_110] : memref<32x10000xi32, #tpu.memory_space<hbm>> -> memref<1x10000xi32, #tpu.memory_space<hbm>>
      %dma_start3A_112 = tpu.memref_squeeze %dma_start3A_111 : memref<1x10000xi32, #tpu.memory_space<hbm>> -> memref<10000xi32, #tpu.memory_space<hbm>>
      %dma_start3A_113 = arith.constant 0 : i32
      %dma_start3A_114 = tpu.memref_slice %arg4[%add3A, %dma_start3A_113] : memref<32x10000xi32, #tpu.memory_space<hbm>> -> memref<1x10000xi32, #tpu.memory_space<hbm>>
      %dma_start3A_115 = tpu.memref_squeeze %dma_start3A_114 : memref<1x10000xi32, #tpu.memory_space<hbm>> -> memref<10000xi32, #tpu.memory_space<hbm>>
      tpu.enqueue_dma source(%dma_start3A_115 : memref<10000xi32, #tpu.memory_space<hbm>>) target(%arg9 : memref<10000xi32, #tpu.memory_space<vmem>>) target_semaphore(%run_scoped3A : memref<!tpu.dma_semaphore, #tpu.memory_space<semaphore_mem>>)
      %dma_wait3A_116 = arith.constant 0 : i32
      %dma_wait3A_117 = tpu.memref_slice %arg4[%add3A, %dma_wait3A_116] : memref<32x10000xi32, #tpu.memory_space<hbm>> -> memref<1x10000xi32, #tpu.memory_space<hbm>>
      %dma_wait3A_118 = tpu.memref_squeeze %dma_wait3A_117 : memref<1x10000xi32, #tpu.memory_space<hbm>> -> memref<10000xi32, #tpu.memory_space<hbm>>
      %dma_wait3A_119 = arith.constant 0 : i32
      %dma_wait3A_120 = tpu.memref_slice %arg4[%add3A, %dma_wait3A_119] : memref<32x10000xi32, #tpu.memory_space<hbm>> -> memref<1x10000xi32, #tpu.memory_space<hbm>>
      %dma_wait3A_121 = tpu.memref_squeeze %dma_wait3A_120 : memref<1x10000xi32, #tpu.memory_space<hbm>> -> memref<10000xi32, #tpu.memory_space<hbm>>
      tpu.wait_dma2 semaphore(%run_scoped3A : memref<!tpu.dma_semaphore, #tpu.memory_space<semaphore_mem>>) src(%dma_wait3A_121 : memref<10000xi32, #tpu.memory_space<hbm>>) dst(%arg9 : memref<10000xi32, #tpu.memory_space<vmem>>)
      tpu.yield
    }) : () -> ()
    %mul3A_1 = arith.constant 632 : i32
    %mul3A_2 = arith.muli %arg1, %mul3A_1 : i32
    "tpu.region"() ({
      %run_scoped3A = tpu.sem_alloc : memref<!tpu.dma_semaphore, #tpu.memory_space<semaphore_mem>>
      %dma_start3A_110 = arith.constant 0 : i32
      %dma_start3A_111 = tpu.memref_slice %arg7[%mul3A_2, %dma_start3A_110] : memref<10112x128xf32, #tpu.memory_space<vmem_shared>> -> memref<632x128xf32, #tpu.memory_space<vmem_shared>>
      %dma_start3A_112 = arith.constant 0 : i32
      %dma_start3A_113 = arith.constant 0 : i32
      %dma_start3A_114 = tpu.memref_slice %arg5[%dma_start3A_112, %dma_start3A_113] : memref<632x128xf32, #tpu.memory_space<hbm>> -> memref<632x128xf32, #tpu.memory_space<hbm>>
      tpu.enqueue_dma source(%dma_start3A_114 : memref<632x128xf32, #tpu.memory_space<hbm>>) target(%dma_start3A_111 : memref<632x128xf32, #tpu.memory_space<vmem_shared>>) target_semaphore(%run_scoped3A : memref<!tpu.dma_semaphore, #tpu.memory_space<semaphore_mem>>)
      %dma_wait3A_115 = arith.constant 0 : i32
      %dma_wait3A_116 = tpu.memref_slice %arg7[%mul3A_2, %dma_wait3A_115] : memref<10112x128xf32, #tpu.memory_space<vmem_shared>> -> memref<632x128xf32, #tpu.memory_space<vmem_shared>>
      %dma_wait3A_117 = arith.constant 0 : i32
      %dma_wait3A_118 = arith.constant 0 : i32
      %dma_wait3A_119 = tpu.memref_slice %arg5[%dma_wait3A_117, %dma_wait3A_118] : memref<632x128xf32, #tpu.memory_space<hbm>> -> memref<632x128xf32, #tpu.memory_space<hbm>>
      tpu.wait_dma2 semaphore(%run_scoped3A : memref<!tpu.dma_semaphore, #tpu.memory_space<semaphore_mem>>) src(%dma_wait3A_119 : memref<632x128xf32, #tpu.memory_space<hbm>>) dst(%dma_wait3A_116 : memref<632x128xf32, #tpu.memory_space<vmem_shared>>)
      tpu.yield
    }) : () -> ()
    %barrier3A = arith.constant 0 : index
    tpu.barrier barrier_id(%barrier3A)
    %dma_start3A = arith.constant 0 : i32
    %dma_start3A_3 = arith.constant 0 : i32
    %dma_start3A_4 = arith.constant 0 : i32
    %dma_start3A_5 = tpu.memref_slice %arg10[%dma_start3A, %dma_start3A_3, %dma_start3A_4] : memref<5x40x128xf32, #tpu.memory_space<vmem>> -> memref<1x40x128xf32, #tpu.memory_space<vmem>>
    %dma_start3A_6 = tpu.memref_squeeze %dma_start3A_5 : memref<1x40x128xf32, #tpu.memory_space<vmem>> -> memref<40x128xf32, #tpu.memory_space<vmem>>
    %dma_start3A_7 = arith.constant 0 : i32
    %dma_start3A_8 = tpu.memref_slice %arg8[%dma_start3A_7] : memref<10000xi32, #tpu.memory_space<vmem>> -> memref<40xi32, #tpu.memory_space<vmem>>
    %dma_start3A_9 = arith.constant 0 : i32
    %dma_start3A_10 = arith.constant 0 : i32
    %dma_start3A_11 = tpu.memref_slice %arg2[%dma_start3A_9, %dma_start3A_10] : memref<5120x128xf32, #tpu.memory_space<hbm>> -> memref<5120x128xf32, #tpu.memory_space<hbm>>
    tpu.enqueue_indirect_dma source(%dma_start3A_11 : memref<5120x128xf32, #tpu.memory_space<hbm>>) target(%dma_start3A_6 : memref<40x128xf32, #tpu.memory_space<vmem>>) offsets(%dma_start3A_8 : memref<40xi32, #tpu.memory_space<vmem>>) semaphore(%arg11 : memref<!tpu.dma_semaphore, #tpu.memory_space<semaphore_mem>>)
    %dma_start3A_12 = arith.constant 1 : i32
    %dma_start3A_13 = arith.constant 0 : i32
    %dma_start3A_14 = arith.constant 0 : i32
    %dma_start3A_15 = tpu.memref_slice %arg10[%dma_start3A_12, %dma_start3A_13, %dma_start3A_14] : memref<5x40x128xf32, #tpu.memory_space<vmem>> -> memref<1x40x128xf32, #tpu.memory_space<vmem>>
    %dma_start3A_16 = tpu.memref_squeeze %dma_start3A_15 : memref<1x40x128xf32, #tpu.memory_space<vmem>> -> memref<40x128xf32, #tpu.memory_space<vmem>>
    %dma_start3A_17 = arith.constant 40 : i32
    %dma_start3A_18 = tpu.memref_slice %arg8[%dma_start3A_17] : memref<10000xi32, #tpu.memory_space<vmem>> -> memref<40xi32, #tpu.memory_space<vmem>>
    %dma_start3A_19 = arith.constant 0 : i32
    %dma_start3A_20 = arith.constant 0 : i32
    %dma_start3A_21 = tpu.memref_slice %arg2[%dma_start3A_19, %dma_start3A_20] : memref<5120x128xf32, #tpu.memory_space<hbm>> -> memref<5120x128xf32, #tpu.memory_space<hbm>>
    tpu.enqueue_indirect_dma source(%dma_start3A_21 : memref<5120x128xf32, #tpu.memory_space<hbm>>) target(%dma_start3A_16 : memref<40x128xf32, #tpu.memory_space<vmem>>) offsets(%dma_start3A_18 : memref<40xi32, #tpu.memory_space<vmem>>) semaphore(%arg12 : memref<!tpu.dma_semaphore, #tpu.memory_space<semaphore_mem>>)
    %dma_start3A_22 = arith.constant 2 : i32
    %dma_start3A_23 = arith.constant 0 : i32
    %dma_start3A_24 = arith.constant 0 : i32
    %dma_start3A_25 = tpu.memref_slice %arg10[%dma_start3A_22, %dma_start3A_23, %dma_start3A_24] : memref<5x40x128xf32, #tpu.memory_space<vmem>> -> memref<1x40x128xf32, #tpu.memory_space<vmem>>
    %dma_start3A_26 = tpu.memref_squeeze %dma_start3A_25 : memref<1x40x128xf32, #tpu.memory_space<vmem>> -> memref<40x128xf32, #tpu.memory_space<vmem>>
    %dma_start3A_27 = arith.constant 80 : i32
    %dma_start3A_28 = tpu.memref_slice %arg8[%dma_start3A_27] : memref<10000xi32, #tpu.memory_space<vmem>> -> memref<40xi32, #tpu.memory_space<vmem>>
    %dma_start3A_29 = arith.constant 0 : i32
    %dma_start3A_30 = arith.constant 0 : i32
    %dma_start3A_31 = tpu.memref_slice %arg2[%dma_start3A_29, %dma_start3A_30] : memref<5120x128xf32, #tpu.memory_space<hbm>> -> memref<5120x128xf32, #tpu.memory_space<hbm>>
    tpu.enqueue_indirect_dma source(%dma_start3A_31 : memref<5120x128xf32, #tpu.memory_space<hbm>>) target(%dma_start3A_26 : memref<40x128xf32, #tpu.memory_space<vmem>>) offsets(%dma_start3A_28 : memref<40xi32, #tpu.memory_space<vmem>>) semaphore(%arg13 : memref<!tpu.dma_semaphore, #tpu.memory_space<semaphore_mem>>)
    %dma_start3A_32 = arith.constant 3 : i32
    %dma_start3A_33 = arith.constant 0 : i32
    %dma_start3A_34 = arith.constant 0 : i32
    %dma_start3A_35 = tpu.memref_slice %arg10[%dma_start3A_32, %dma_start3A_33, %dma_start3A_34] : memref<5x40x128xf32, #tpu.memory_space<vmem>> -> memref<1x40x128xf32, #tpu.memory_space<vmem>>
    %dma_start3A_36 = tpu.memref_squeeze %dma_start3A_35 : memref<1x40x128xf32, #tpu.memory_space<vmem>> -> memref<40x128xf32, #tpu.memory_space<vmem>>
    %dma_start3A_37 = arith.constant 120 : i32
    %dma_start3A_38 = tpu.memref_slice %arg8[%dma_start3A_37] : memref<10000xi32, #tpu.memory_space<vmem>> -> memref<40xi32, #tpu.memory_space<vmem>>
    %dma_start3A_39 = arith.constant 0 : i32
    %dma_start3A_40 = arith.constant 0 : i32
    %dma_start3A_41 = tpu.memref_slice %arg2[%dma_start3A_39, %dma_start3A_40] : memref<5120x128xf32, #tpu.memory_space<hbm>> -> memref<5120x128xf32, #tpu.memory_space<hbm>>
    tpu.enqueue_indirect_dma source(%dma_start3A_41 : memref<5120x128xf32, #tpu.memory_space<hbm>>) target(%dma_start3A_36 : memref<40x128xf32, #tpu.memory_space<vmem>>) offsets(%dma_start3A_38 : memref<40xi32, #tpu.memory_space<vmem>>) semaphore(%arg14 : memref<!tpu.dma_semaphore, #tpu.memory_space<semaphore_mem>>)
    %dma_start3A_42 = arith.constant 4 : i32
    %dma_start3A_43 = arith.constant 0 : i32
    %dma_start3A_44 = arith.constant 0 : i32
    %dma_start3A_45 = tpu.memref_slice %arg10[%dma_start3A_42, %dma_start3A_43, %dma_start3A_44] : memref<5x40x128xf32, #tpu.memory_space<vmem>> -> memref<1x40x128xf32, #tpu.memory_space<vmem>>
    %dma_start3A_46 = tpu.memref_squeeze %dma_start3A_45 : memref<1x40x128xf32, #tpu.memory_space<vmem>> -> memref<40x128xf32, #tpu.memory_space<vmem>>
    %dma_start3A_47 = arith.constant 160 : i32
    %dma_start3A_48 = tpu.memref_slice %arg8[%dma_start3A_47] : memref<10000xi32, #tpu.memory_space<vmem>> -> memref<40xi32, #tpu.memory_space<vmem>>
    %dma_start3A_49 = arith.constant 0 : i32
    %dma_start3A_50 = arith.constant 0 : i32
    %dma_start3A_51 = tpu.memref_slice %arg2[%dma_start3A_49, %dma_start3A_50] : memref<5120x128xf32, #tpu.memory_space<hbm>> -> memref<5120x128xf32, #tpu.memory_space<hbm>>
    tpu.enqueue_indirect_dma source(%dma_start3A_51 : memref<5120x128xf32, #tpu.memory_space<hbm>>) target(%dma_start3A_46 : memref<40x128xf32, #tpu.memory_space<vmem>>) offsets(%dma_start3A_48 : memref<40xi32, #tpu.memory_space<vmem>>) semaphore(%arg15 : memref<!tpu.dma_semaphore, #tpu.memory_space<semaphore_mem>>)
    %scan3A = arith.constant 0 : i32
    %scan3A_52 = arith.constant 50 : i32
    %scan3A_53 = arith.addi %scan3A, %scan3A_52 : i32
    %scan3A_54 = arith.constant 1 : i32
    scf.for %scan3A_110 = %scan3A to %scan3A_53 step %scan3A_54  : i32 {
      %mul3A_111 = arith.constant 1 : i32
      %mul3A_112 = arith.muli %scan3A_110, %mul3A_111 : i32
      %add3A_113 = arith.constant 0 : i32
      %add3A_114 = arith.addi %add3A_113, %mul3A_112 : i32
      %mul3A_115 = arith.constant 5 : i32
      %mul3A_116 = arith.muli %add3A_114, %mul3A_115 : i32
      %add3A_117 = arith.constant 0 : i32
      %add3A_118 = arith.addi %mul3A_116, %add3A_117 : i32
      %mul3A_119 = arith.constant 40 : i32
      %mul3A_120 = arith.muli %add3A_118, %mul3A_119 : i32
      %dma_wait3A_121 = arith.constant 0 : i32
      %dma_wait3A_122 = arith.constant 0 : i32
      %dma_wait3A_123 = arith.constant 0 : i32
      %dma_wait3A_124 = tpu.memref_slice %arg10[%dma_wait3A_121, %dma_wait3A_122, %dma_wait3A_123] : memref<5x40x128xf32, #tpu.memory_space<vmem>> -> memref<1x40x128xf32, #tpu.memory_space<vmem>>
      %dma_wait3A_125 = tpu.memref_squeeze %dma_wait3A_124 : memref<1x40x128xf32, #tpu.memory_space<vmem>> -> memref<40x128xf32, #tpu.memory_space<vmem>>
      %dma_wait3A_126 = tpu.memref_slice %arg8[%mul3A_120] : memref<10000xi32, #tpu.memory_space<vmem>> -> memref<40xi32, #tpu.memory_space<vmem>>
      %dma_wait3A_127 = arith.constant 0 : i32
      %dma_wait3A_128 = arith.constant 0 : i32
      %dma_wait3A_129 = tpu.memref_slice %arg2[%dma_wait3A_127, %dma_wait3A_128] : memref<5120x128xf32, #tpu.memory_space<hbm>> -> memref<5120x128xf32, #tpu.memory_space<hbm>>
      tpu.wait_indirect_dma semaphore(%arg11 : memref<!tpu.dma_semaphore, #tpu.memory_space<semaphore_mem>>) src(%dma_wait3A_129 : memref<5120x128xf32, #tpu.memory_space<hbm>>) dst(%dma_wait3A_125 : memref<40x128xf32, #tpu.memory_space<vmem>>)
      %mul3A_130 = arith.constant 40 : i32
      %mul3A_131 = arith.muli %add3A_118, %mul3A_130 : i32
      %dma_start3A_132 = arith.constant 0 : i32
      %dma_start3A_133 = arith.constant 0 : i32
      %dma_start3A_134 = arith.constant 0 : i32
      %dma_start3A_135 = tpu.memref_slice %arg10[%dma_start3A_132, %dma_start3A_133, %dma_start3A_134] : memref<5x40x128xf32, #tpu.memory_space<vmem>> -> memref<1x40x128xf32, #tpu.memory_space<vmem>>
      %dma_start3A_136 = tpu.memref_squeeze %dma_start3A_135 : memref<1x40x128xf32, #tpu.memory_space<vmem>> -> memref<40x128xf32, #tpu.memory_space<vmem>>
      %dma_start3A_137 = tpu.memref_slice %arg9[%mul3A_131] : memref<10000xi32, #tpu.memory_space<vmem>> -> memref<40xi32, #tpu.memory_space<vmem>>
      %dma_start3A_138 = arith.constant 0 : i32
      %dma_start3A_139 = arith.constant 0 : i32
      %dma_start3A_140 = tpu.memref_slice %arg7[%dma_start3A_138, %dma_start3A_139] : memref<10112x128xf32, #tpu.memory_space<vmem_shared>> -> memref<10112x128xf32, #tpu.memory_space<vmem_shared>>
      tpu.enqueue_indirect_dma source(%dma_start3A_136 : memref<40x128xf32, #tpu.memory_space<vmem>>) target(%dma_start3A_140 : memref<10112x128xf32, #tpu.memory_space<vmem_shared>>) offsets(%dma_start3A_137 : memref<40xi32, #tpu.memory_space<vmem>>) semaphore(%arg16 : memref<!tpu.dma_semaphore, #tpu.memory_space<semaphore_mem>>) {add = true}
      %add3A_141 = arith.constant 2 : i32
      %add3A_142 = arith.addi %add3A_118, %add3A_141 : i32
      %sub3A = arith.constant 5 : i32
      %sub3A_143 = arith.subi %add3A_142, %sub3A : i32
      %ge3A = arith.constant 5 : i32
      %ge3A_144 = arith.cmpi sge, %add3A_142, %ge3A : i32
      %lt3A = arith.constant 250 : i32
      %lt3A_145 = arith.cmpi slt, %add3A_142, %lt3A : i32
      %and3A = arith.andi %ge3A_144, %lt3A_145 : i1
      %convert_element_type3A = arith.extui %and3A : i1 to i32
      %cond3A = arith.constant 0 : i32
      %cond3A_146 = arith.cmpi ne, %convert_element_type3A, %cond3A : i32
      scf.if %cond3A_146 {
        %mul3A_299 = arith.constant 40 : i32
        %mul3A_300 = arith.muli %sub3A_143, %mul3A_299 : i32
        %dma_wait3A_301 = arith.constant 2 : i32
        %dma_wait3A_302 = arith.constant 0 : i32
        %dma_wait3A_303 = arith.constant 0 : i32
        %dma_wait3A_304 = tpu.memref_slice %arg10[%dma_wait3A_301, %dma_wait3A_302, %dma_wait3A_303] : memref<5x40x128xf32, #tpu.memory_space<vmem>> -> memref<1x40x128xf32, #tpu.memory_space<vmem>>
        %dma_wait3A_305 = tpu.memref_squeeze %dma_wait3A_304 : memref<1x40x128xf32, #tpu.memory_space<vmem>> -> memref<40x128xf32, #tpu.memory_space<vmem>>
        %dma_wait3A_306 = tpu.memref_slice %arg9[%mul3A_300] : memref<10000xi32, #tpu.memory_space<vmem>> -> memref<40xi32, #tpu.memory_space<vmem>>
        %dma_wait3A_307 = arith.constant 0 : i32
        %dma_wait3A_308 = arith.constant 0 : i32
        %dma_wait3A_309 = tpu.memref_slice %arg7[%dma_wait3A_307, %dma_wait3A_308] : memref<10112x128xf32, #tpu.memory_space<vmem_shared>> -> memref<10112x128xf32, #tpu.memory_space<vmem_shared>>
        tpu.wait_indirect_dma semaphore(%arg18 : memref<!tpu.dma_semaphore, #tpu.memory_space<semaphore_mem>>) src(%dma_wait3A_305 : memref<40x128xf32, #tpu.memory_space<vmem>>) dst(%dma_wait3A_309 : memref<10112x128xf32, #tpu.memory_space<vmem_shared>>)
        %mul3A_310 = arith.constant 40 : i32
        %mul3A_311 = arith.muli %add3A_142, %mul3A_310 : i32
        %dma_start3A_312 = arith.constant 2 : i32
        %dma_start3A_313 = arith.constant 0 : i32
        %dma_start3A_314 = arith.constant 0 : i32
        %dma_start3A_315 = tpu.memref_slice %arg10[%dma_start3A_312, %dma_start3A_313, %dma_start3A_314] : memref<5x40x128xf32, #tpu.memory_space<vmem>> -> memref<1x40x128xf32, #tpu.memory_space<vmem>>
        %dma_start3A_316 = tpu.memref_squeeze %dma_start3A_315 : memref<1x40x128xf32, #tpu.memory_space<vmem>> -> memref<40x128xf32, #tpu.memory_space<vmem>>
        %dma_start3A_317 = tpu.memref_slice %arg8[%mul3A_311] : memref<10000xi32, #tpu.memory_space<vmem>> -> memref<40xi32, #tpu.memory_space<vmem>>
        %dma_start3A_318 = arith.constant 0 : i32
        %dma_start3A_319 = arith.constant 0 : i32
        %dma_start3A_320 = tpu.memref_slice %arg2[%dma_start3A_318, %dma_start3A_319] : memref<5120x128xf32, #tpu.memory_space<hbm>> -> memref<5120x128xf32, #tpu.memory_space<hbm>>
        tpu.enqueue_indirect_dma source(%dma_start3A_320 : memref<5120x128xf32, #tpu.memory_space<hbm>>) target(%dma_start3A_316 : memref<40x128xf32, #tpu.memory_space<vmem>>) offsets(%dma_start3A_317 : memref<40xi32, #tpu.memory_space<vmem>>) semaphore(%arg13 : memref<!tpu.dma_semaphore, #tpu.memory_space<semaphore_mem>>)
      } else {
      }
      %mul3A_147 = arith.constant 5 : i32
      %mul3A_148 = arith.muli %add3A_114, %mul3A_147 : i32
      %add3A_149 = arith.constant 1 : i32
      %add3A_150 = arith.addi %mul3A_148, %add3A_149 : i32
      %mul3A_151 = arith.constant 40 : i32
      %mul3A_152 = arith.muli %add3A_150, %mul3A_151 : i32
      %dma_wait3A_153 = arith.constant 1 : i32
      %dma_wait3A_154 = arith.constant 0 : i32
      %dma_wait3A_155 = arith.constant 0 : i32
      %dma_wait3A_156 = tpu.memref_slice %arg10[%dma_wait3A_153, %dma_wait3A_154, %dma_wait3A_155] : memref<5x40x128xf32, #tpu.memory_space<vmem>> -> memref<1x40x128xf32, #tpu.memory_space<vmem>>
      %dma_wait3A_157 = tpu.memref_squeeze %dma_wait3A_156 : memref<1x40x128xf32, #tpu.memory_space<vmem>> -> memref<40x128xf32, #tpu.memory_space<vmem>>
      %dma_wait3A_158 = tpu.memref_slice %arg8[%mul3A_152] : memref<10000xi32, #tpu.memory_space<vmem>> -> memref<40xi32, #tpu.memory_space<vmem>>
      %dma_wait3A_159 = arith.constant 0 : i32
      %dma_wait3A_160 = arith.constant 0 : i32
      %dma_wait3A_161 = tpu.memref_slice %arg2[%dma_wait3A_159, %dma_wait3A_160] : memref<5120x128xf32, #tpu.memory_space<hbm>> -> memref<5120x128xf32, #tpu.memory_space<hbm>>
      tpu.wait_indirect_dma semaphore(%arg12 : memref<!tpu.dma_semaphore, #tpu.memory_space<semaphore_mem>>) src(%dma_wait3A_161 : memref<5120x128xf32, #tpu.memory_space<hbm>>) dst(%dma_wait3A_157 : memref<40x128xf32, #tpu.memory_space<vmem>>)
      %mul3A_162 = arith.constant 40 : i32
      %mul3A_163 = arith.muli %add3A_150, %mul3A_162 : i32
      %dma_start3A_164 = arith.constant 1 : i32
      %dma_start3A_165 = arith.constant 0 : i32
      %dma_start3A_166 = arith.constant 0 : i32
      %dma_start3A_167 = tpu.memref_slice %arg10[%dma_start3A_164, %dma_start3A_165, %dma_start3A_166] : memref<5x40x128xf32, #tpu.memory_space<vmem>> -> memref<1x40x128xf32, #tpu.memory_space<vmem>>
      %dma_start3A_168 = tpu.memref_squeeze %dma_start3A_167 : memref<1x40x128xf32, #tpu.memory_space<vmem>> -> memref<40x128xf32, #tpu.memory_space<vmem>>
      %dma_start3A_169 = tpu.memref_slice %arg9[%mul3A_163] : memref<10000xi32, #tpu.memory_space<vmem>> -> memref<40xi32, #tpu.memory_space<vmem>>
      %dma_start3A_170 = arith.constant 0 : i32
      %dma_start3A_171 = arith.constant 0 : i32
      %dma_start3A_172 = tpu.memref_slice %arg7[%dma_start3A_170, %dma_start3A_171] : memref<10112x128xf32, #tpu.memory_space<vmem_shared>> -> memref<10112x128xf32, #tpu.memory_space<vmem_shared>>
      tpu.enqueue_indirect_dma source(%dma_start3A_168 : memref<40x128xf32, #tpu.memory_space<vmem>>) target(%dma_start3A_172 : memref<10112x128xf32, #tpu.memory_space<vmem_shared>>) offsets(%dma_start3A_169 : memref<40xi32, #tpu.memory_space<vmem>>) semaphore(%arg17 : memref<!tpu.dma_semaphore, #tpu.memory_space<semaphore_mem>>) {add = true}
      %add3A_173 = arith.constant 2 : i32
      %add3A_174 = arith.addi %add3A_150, %add3A_173 : i32
      %sub3A_175 = arith.constant 5 : i32
      %sub3A_176 = arith.subi %add3A_174, %sub3A_175 : i32
      %ge3A_177 = arith.constant 5 : i32
      %ge3A_178 = arith.cmpi sge, %add3A_174, %ge3A_177 : i32
      %lt3A_179 = arith.constant 250 : i32
      %lt3A_180 = arith.cmpi slt, %add3A_174, %lt3A_179 : i32
      %and3A_181 = arith.andi %ge3A_178, %lt3A_180 : i1
      %convert_element_type3A_182 = arith.extui %and3A_181 : i1 to i32
      %cond3A_183 = arith.constant 0 : i32
      %cond3A_184 = arith.cmpi ne, %convert_element_type3A_182, %cond3A_183 : i32
      scf.if %cond3A_184 {
        %mul3A_299 = arith.constant 40 : i32
        %mul3A_300 = arith.muli %sub3A_176, %mul3A_299 : i32
        %dma_wait3A_301 = arith.constant 3 : i32
        %dma_wait3A_302 = arith.constant 0 : i32
        %dma_wait3A_303 = arith.constant 0 : i32
        %dma_wait3A_304 = tpu.memref_slice %arg10[%dma_wait3A_301, %dma_wait3A_302, %dma_wait3A_303] : memref<5x40x128xf32, #tpu.memory_space<vmem>> -> memref<1x40x128xf32, #tpu.memory_space<vmem>>
        %dma_wait3A_305 = tpu.memref_squeeze %dma_wait3A_304 : memref<1x40x128xf32, #tpu.memory_space<vmem>> -> memref<40x128xf32, #tpu.memory_space<vmem>>
        %dma_wait3A_306 = tpu.memref_slice %arg9[%mul3A_300] : memref<10000xi32, #tpu.memory_space<vmem>> -> memref<40xi32, #tpu.memory_space<vmem>>
        %dma_wait3A_307 = arith.constant 0 : i32
        %dma_wait3A_308 = arith.constant 0 : i32
        %dma_wait3A_309 = tpu.memref_slice %arg7[%dma_wait3A_307, %dma_wait3A_308] : memref<10112x128xf32, #tpu.memory_space<vmem_shared>> -> memref<10112x128xf32, #tpu.memory_space<vmem_shared>>
        tpu.wait_indirect_dma semaphore(%arg19 : memref<!tpu.dma_semaphore, #tpu.memory_space<semaphore_mem>>) src(%dma_wait3A_305 : memref<40x128xf32, #tpu.memory_space<vmem>>) dst(%dma_wait3A_309 : memref<10112x128xf32, #tpu.memory_space<vmem_shared>>)
        %mul3A_310 = arith.constant 40 : i32
        %mul3A_311 = arith.muli %add3A_174, %mul3A_310 : i32
        %dma_start3A_312 = arith.constant 3 : i32
        %dma_start3A_313 = arith.constant 0 : i32
        %dma_start3A_314 = arith.constant 0 : i32
        %dma_start3A_315 = tpu.memref_slice %arg10[%dma_start3A_312, %dma_start3A_313, %dma_start3A_314] : memref<5x40x128xf32, #tpu.memory_space<vmem>> -> memref<1x40x128xf32, #tpu.memory_space<vmem>>
        %dma_start3A_316 = tpu.memref_squeeze %dma_start3A_315 : memref<1x40x128xf32, #tpu.memory_space<vmem>> -> memref<40x128xf32, #tpu.memory_space<vmem>>
        %dma_start3A_317 = tpu.memref_slice %arg8[%mul3A_311] : memref<10000xi32, #tpu.memory_space<vmem>> -> memref<40xi32, #tpu.memory_space<vmem>>
        %dma_start3A_318 = arith.constant 0 : i32
        %dma_start3A_319 = arith.constant 0 : i32
        %dma_start3A_320 = tpu.memref_slice %arg2[%dma_start3A_318, %dma_start3A_319] : memref<5120x128xf32, #tpu.memory_space<hbm>> -> memref<5120x128xf32, #tpu.memory_space<hbm>>
        tpu.enqueue_indirect_dma source(%dma_start3A_320 : memref<5120x128xf32, #tpu.memory_space<hbm>>) target(%dma_start3A_316 : memref<40x128xf32, #tpu.memory_space<vmem>>) offsets(%dma_start3A_317 : memref<40xi32, #tpu.memory_space<vmem>>) semaphore(%arg14 : memref<!tpu.dma_semaphore, #tpu.memory_space<semaphore_mem>>)
      } else {
      }
      %mul3A_185 = arith.constant 5 : i32
      %mul3A_186 = arith.muli %add3A_114, %mul3A_185 : i32
      %add3A_187 = arith.constant 2 : i32
      %add3A_188 = arith.addi %mul3A_186, %add3A_187 : i32
      %mul3A_189 = arith.constant 40 : i32
      %mul3A_190 = arith.muli %add3A_188, %mul3A_189 : i32
      %dma_wait3A_191 = arith.constant 2 : i32
      %dma_wait3A_192 = arith.constant 0 : i32
      %dma_wait3A_193 = arith.constant 0 : i32
      %dma_wait3A_194 = tpu.memref_slice %arg10[%dma_wait3A_191, %dma_wait3A_192, %dma_wait3A_193] : memref<5x40x128xf32, #tpu.memory_space<vmem>> -> memref<1x40x128xf32, #tpu.memory_space<vmem>>
      %dma_wait3A_195 = tpu.memref_squeeze %dma_wait3A_194 : memref<1x40x128xf32, #tpu.memory_space<vmem>> -> memref<40x128xf32, #tpu.memory_space<vmem>>
      %dma_wait3A_196 = tpu.memref_slice %arg8[%mul3A_190] : memref<10000xi32, #tpu.memory_space<vmem>> -> memref<40xi32, #tpu.memory_space<vmem>>
      %dma_wait3A_197 = arith.constant 0 : i32
      %dma_wait3A_198 = arith.constant 0 : i32
      %dma_wait3A_199 = tpu.memref_slice %arg2[%dma_wait3A_197, %dma_wait3A_198] : memref<5120x128xf32, #tpu.memory_space<hbm>> -> memref<5120x128xf32, #tpu.memory_space<hbm>>
      tpu.wait_indirect_dma semaphore(%arg13 : memref<!tpu.dma_semaphore, #tpu.memory_space<semaphore_mem>>) src(%dma_wait3A_199 : memref<5120x128xf32, #tpu.memory_space<hbm>>) dst(%dma_wait3A_195 : memref<40x128xf32, #tpu.memory_space<vmem>>)
      %mul3A_200 = arith.constant 40 : i32
      %mul3A_201 = arith.muli %add3A_188, %mul3A_200 : i32
      %dma_start3A_202 = arith.constant 2 : i32
      %dma_start3A_203 = arith.constant 0 : i32
      %dma_start3A_204 = arith.constant 0 : i32
      %dma_start3A_205 = tpu.memref_slice %arg10[%dma_start3A_202, %dma_start3A_203, %dma_start3A_204] : memref<5x40x128xf32, #tpu.memory_space<vmem>> -> memref<1x40x128xf32, #tpu.memory_space<vmem>>
      %dma_start3A_206 = tpu.memref_squeeze %dma_start3A_205 : memref<1x40x128xf32, #tpu.memory_space<vmem>> -> memref<40x128xf32, #tpu.memory_space<vmem>>
      %dma_start3A_207 = tpu.memref_slice %arg9[%mul3A_201] : memref<10000xi32, #tpu.memory_space<vmem>> -> memref<40xi32, #tpu.memory_space<vmem>>
      %dma_start3A_208 = arith.constant 0 : i32
      %dma_start3A_209 = arith.constant 0 : i32
      %dma_start3A_210 = tpu.memref_slice %arg7[%dma_start3A_208, %dma_start3A_209] : memref<10112x128xf32, #tpu.memory_space<vmem_shared>> -> memref<10112x128xf32, #tpu.memory_space<vmem_shared>>
      tpu.enqueue_indirect_dma source(%dma_start3A_206 : memref<40x128xf32, #tpu.memory_space<vmem>>) target(%dma_start3A_210 : memref<10112x128xf32, #tpu.memory_space<vmem_shared>>) offsets(%dma_start3A_207 : memref<40xi32, #tpu.memory_space<vmem>>) semaphore(%arg18 : memref<!tpu.dma_semaphore, #tpu.memory_space<semaphore_mem>>) {add = true}
      %add3A_211 = arith.constant 2 : i32
      %add3A_212 = arith.addi %add3A_188, %add3A_211 : i32
      %sub3A_213 = arith.constant 5 : i32
      %sub3A_214 = arith.subi %add3A_212, %sub3A_213 : i32
      %ge3A_215 = arith.constant 5 : i32
      %ge3A_216 = arith.cmpi sge, %add3A_212, %ge3A_215 : i32
      %lt3A_217 = arith.constant 250 : i32
      %lt3A_218 = arith.cmpi slt, %add3A_212, %lt3A_217 : i32
      %and3A_219 = arith.andi %ge3A_216, %lt3A_218 : i1
      %convert_element_type3A_220 = arith.extui %and3A_219 : i1 to i32
      %cond3A_221 = arith.constant 0 : i32
      %cond3A_222 = arith.cmpi ne, %convert_element_type3A_220, %cond3A_221 : i32
      scf.if %cond3A_222 {
        %mul3A_299 = arith.constant 40 : i32
        %mul3A_300 = arith.muli %sub3A_214, %mul3A_299 : i32
        %dma_wait3A_301 = arith.constant 4 : i32
        %dma_wait3A_302 = arith.constant 0 : i32
        %dma_wait3A_303 = arith.constant 0 : i32
        %dma_wait3A_304 = tpu.memref_slice %arg10[%dma_wait3A_301, %dma_wait3A_302, %dma_wait3A_303] : memref<5x40x128xf32, #tpu.memory_space<vmem>> -> memref<1x40x128xf32, #tpu.memory_space<vmem>>
        %dma_wait3A_305 = tpu.memref_squeeze %dma_wait3A_304 : memref<1x40x128xf32, #tpu.memory_space<vmem>> -> memref<40x128xf32, #tpu.memory_space<vmem>>
        %dma_wait3A_306 = tpu.memref_slice %arg9[%mul3A_300] : memref<10000xi32, #tpu.memory_space<vmem>> -> memref<40xi32, #tpu.memory_space<vmem>>
        %dma_wait3A_307 = arith.constant 0 : i32
        %dma_wait3A_308 = arith.constant 0 : i32
        %dma_wait3A_309 = tpu.memref_slice %arg7[%dma_wait3A_307, %dma_wait3A_308] : memref<10112x128xf32, #tpu.memory_space<vmem_shared>> -> memref<10112x128xf32, #tpu.memory_space<vmem_shared>>
        tpu.wait_indirect_dma semaphore(%arg20 : memref<!tpu.dma_semaphore, #tpu.memory_space<semaphore_mem>>) src(%dma_wait3A_305 : memref<40x128xf32, #tpu.memory_space<vmem>>) dst(%dma_wait3A_309 : memref<10112x128xf32, #tpu.memory_space<vmem_shared>>)
        %mul3A_310 = arith.constant 40 : i32
        %mul3A_311 = arith.muli %add3A_212, %mul3A_310 : i32
        %dma_start3A_312 = arith.constant 4 : i32
        %dma_start3A_313 = arith.constant 0 : i32
        %dma_start3A_314 = arith.constant 0 : i32
        %dma_start3A_315 = tpu.memref_slice %arg10[%dma_start3A_312, %dma_start3A_313, %dma_start3A_314] : memref<5x40x128xf32, #tpu.memory_space<vmem>> -> memref<1x40x128xf32, #tpu.memory_space<vmem>>
        %dma_start3A_316 = tpu.memref_squeeze %dma_start3A_315 : memref<1x40x128xf32, #tpu.memory_space<vmem>> -> memref<40x128xf32, #tpu.memory_space<vmem>>
        %dma_start3A_317 = tpu.memref_slice %arg8[%mul3A_311] : memref<10000xi32, #tpu.memory_space<vmem>> -> memref<40xi32, #tpu.memory_space<vmem>>
        %dma_start3A_318 = arith.constant 0 : i32
        %dma_start3A_319 = arith.constant 0 : i32
        %dma_start3A_320 = tpu.memref_slice %arg2[%dma_start3A_318, %dma_start3A_319] : memref<5120x128xf32, #tpu.memory_space<hbm>> -> memref<5120x128xf32, #tpu.memory_space<hbm>>
        tpu.enqueue_indirect_dma source(%dma_start3A_320 : memref<5120x128xf32, #tpu.memory_space<hbm>>) target(%dma_start3A_316 : memref<40x128xf32, #tpu.memory_space<vmem>>) offsets(%dma_start3A_317 : memref<40xi32, #tpu.memory_space<vmem>>) semaphore(%arg15 : memref<!tpu.dma_semaphore, #tpu.memory_space<semaphore_mem>>)
      } else {
      }
      %mul3A_223 = arith.constant 5 : i32
      %mul3A_224 = arith.muli %add3A_114, %mul3A_223 : i32
      %add3A_225 = arith.constant 3 : i32
      %add3A_226 = arith.addi %mul3A_224, %add3A_225 : i32
      %mul3A_227 = arith.constant 40 : i32
      %mul3A_228 = arith.muli %add3A_226, %mul3A_227 : i32
      %dma_wait3A_229 = arith.constant 3 : i32
      %dma_wait3A_230 = arith.constant 0 : i32
      %dma_wait3A_231 = arith.constant 0 : i32
      %dma_wait3A_232 = tpu.memref_slice %arg10[%dma_wait3A_229, %dma_wait3A_230, %dma_wait3A_231] : memref<5x40x128xf32, #tpu.memory_space<vmem>> -> memref<1x40x128xf32, #tpu.memory_space<vmem>>
      %dma_wait3A_233 = tpu.memref_squeeze %dma_wait3A_232 : memref<1x40x128xf32, #tpu.memory_space<vmem>> -> memref<40x128xf32, #tpu.memory_space<vmem>>
      %dma_wait3A_234 = tpu.memref_slice %arg8[%mul3A_228] : memref<10000xi32, #tpu.memory_space<vmem>> -> memref<40xi32, #tpu.memory_space<vmem>>
      %dma_wait3A_235 = arith.constant 0 : i32
      %dma_wait3A_236 = arith.constant 0 : i32
      %dma_wait3A_237 = tpu.memref_slice %arg2[%dma_wait3A_235, %dma_wait3A_236] : memref<5120x128xf32, #tpu.memory_space<hbm>> -> memref<5120x128xf32, #tpu.memory_space<hbm>>
      tpu.wait_indirect_dma semaphore(%arg14 : memref<!tpu.dma_semaphore, #tpu.memory_space<semaphore_mem>>) src(%dma_wait3A_237 : memref<5120x128xf32, #tpu.memory_space<hbm>>) dst(%dma_wait3A_233 : memref<40x128xf32, #tpu.memory_space<vmem>>)
      %mul3A_238 = arith.constant 40 : i32
      %mul3A_239 = arith.muli %add3A_226, %mul3A_238 : i32
      %dma_start3A_240 = arith.constant 3 : i32
      %dma_start3A_241 = arith.constant 0 : i32
      %dma_start3A_242 = arith.constant 0 : i32
      %dma_start3A_243 = tpu.memref_slice %arg10[%dma_start3A_240, %dma_start3A_241, %dma_start3A_242] : memref<5x40x128xf32, #tpu.memory_space<vmem>> -> memref<1x40x128xf32, #tpu.memory_space<vmem>>
      %dma_start3A_244 = tpu.memref_squeeze %dma_start3A_243 : memref<1x40x128xf32, #tpu.memory_space<vmem>> -> memref<40x128xf32, #tpu.memory_space<vmem>>
      %dma_start3A_245 = tpu.memref_slice %arg9[%mul3A_239] : memref<10000xi32, #tpu.memory_space<vmem>> -> memref<40xi32, #tpu.memory_space<vmem>>
      %dma_start3A_246 = arith.constant 0 : i32
      %dma_start3A_247 = arith.constant 0 : i32
      %dma_start3A_248 = tpu.memref_slice %arg7[%dma_start3A_246, %dma_start3A_247] : memref<10112x128xf32, #tpu.memory_space<vmem_shared>> -> memref<10112x128xf32, #tpu.memory_space<vmem_shared>>
      tpu.enqueue_indirect_dma source(%dma_start3A_244 : memref<40x128xf32, #tpu.memory_space<vmem>>) target(%dma_start3A_248 : memref<10112x128xf32, #tpu.memory_space<vmem_shared>>) offsets(%dma_start3A_245 : memref<40xi32, #tpu.memory_space<vmem>>) semaphore(%arg19 : memref<!tpu.dma_semaphore, #tpu.memory_space<semaphore_mem>>) {add = true}
      %add3A_249 = arith.constant 2 : i32
      %add3A_250 = arith.addi %add3A_226, %add3A_249 : i32
      %sub3A_251 = arith.constant 5 : i32
      %sub3A_252 = arith.subi %add3A_250, %sub3A_251 : i32
      %ge3A_253 = arith.constant 5 : i32
      %ge3A_254 = arith.cmpi sge, %add3A_250, %ge3A_253 : i32
      %lt3A_255 = arith.constant 250 : i32
      %lt3A_256 = arith.cmpi slt, %add3A_250, %lt3A_255 : i32
      %and3A_257 = arith.andi %ge3A_254, %lt3A_256 : i1
      %convert_element_type3A_258 = arith.extui %and3A_257 : i1 to i32
      %cond3A_259 = arith.constant 0 : i32
      %cond3A_260 = arith.cmpi ne, %convert_element_type3A_258, %cond3A_259 : i32
      scf.if %cond3A_260 {
        %mul3A_299 = arith.constant 40 : i32
        %mul3A_300 = arith.muli %sub3A_252, %mul3A_299 : i32
        %dma_wait3A_301 = arith.constant 0 : i32
        %dma_wait3A_302 = arith.constant 0 : i32
        %dma_wait3A_303 = arith.constant 0 : i32
        %dma_wait3A_304 = tpu.memref_slice %arg10[%dma_wait3A_301, %dma_wait3A_302, %dma_wait3A_303] : memref<5x40x128xf32, #tpu.memory_space<vmem>> -> memref<1x40x128xf32, #tpu.memory_space<vmem>>
        %dma_wait3A_305 = tpu.memref_squeeze %dma_wait3A_304 : memref<1x40x128xf32, #tpu.memory_space<vmem>> -> memref<40x128xf32, #tpu.memory_space<vmem>>
        %dma_wait3A_306 = tpu.memref_slice %arg9[%mul3A_300] : memref<10000xi32, #tpu.memory_space<vmem>> -> memref<40xi32, #tpu.memory_space<vmem>>
        %dma_wait3A_307 = arith.constant 0 : i32
        %dma_wait3A_308 = arith.constant 0 : i32
        %dma_wait3A_309 = tpu.memref_slice %arg7[%dma_wait3A_307, %dma_wait3A_308] : memref<10112x128xf32, #tpu.memory_space<vmem_shared>> -> memref<10112x128xf32, #tpu.memory_space<vmem_shared>>
        tpu.wait_indirect_dma semaphore(%arg16 : memref<!tpu.dma_semaphore, #tpu.memory_space<semaphore_mem>>) src(%dma_wait3A_305 : memref<40x128xf32, #tpu.memory_space<vmem>>) dst(%dma_wait3A_309 : memref<10112x128xf32, #tpu.memory_space<vmem_shared>>)
        %mul3A_310 = arith.constant 40 : i32
        %mul3A_311 = arith.muli %add3A_250, %mul3A_310 : i32
        %dma_start3A_312 = arith.constant 0 : i32
        %dma_start3A_313 = arith.constant 0 : i32
        %dma_start3A_314 = arith.constant 0 : i32
        %dma_start3A_315 = tpu.memref_slice %arg10[%dma_start3A_312, %dma_start3A_313, %dma_start3A_314] : memref<5x40x128xf32, #tpu.memory_space<vmem>> -> memref<1x40x128xf32, #tpu.memory_space<vmem>>
        %dma_start3A_316 = tpu.memref_squeeze %dma_start3A_315 : memref<1x40x128xf32, #tpu.memory_space<vmem>> -> memref<40x128xf32, #tpu.memory_space<vmem>>
        %dma_start3A_317 = tpu.memref_slice %arg8[%mul3A_311] : memref<10000xi32, #tpu.memory_space<vmem>> -> memref<40xi32, #tpu.memory_space<vmem>>
        %dma_start3A_318 = arith.constant 0 : i32
        %dma_start3A_319 = arith.constant 0 : i32
        %dma_start3A_320 = tpu.memref_slice %arg2[%dma_start3A_318, %dma_start3A_319] : memref<5120x128xf32, #tpu.memory_space<hbm>> -> memref<5120x128xf32, #tpu.memory_space<hbm>>
        tpu.enqueue_indirect_dma source(%dma_start3A_320 : memref<5120x128xf32, #tpu.memory_space<hbm>>) target(%dma_start3A_316 : memref<40x128xf32, #tpu.memory_space<vmem>>) offsets(%dma_start3A_317 : memref<40xi32, #tpu.memory_space<vmem>>) semaphore(%arg11 : memref<!tpu.dma_semaphore, #tpu.memory_space<semaphore_mem>>)
      } else {
      }
      %mul3A_261 = arith.constant 5 : i32
      %mul3A_262 = arith.muli %add3A_114, %mul3A_261 : i32
      %add3A_263 = arith.constant 4 : i32
      %add3A_264 = arith.addi %mul3A_262, %add3A_263 : i32
      %mul3A_265 = arith.constant 40 : i32
      %mul3A_266 = arith.muli %add3A_264, %mul3A_265 : i32
      %dma_wait3A_267 = arith.constant 4 : i32
      %dma_wait3A_268 = arith.constant 0 : i32
      %dma_wait3A_269 = arith.constant 0 : i32
      %dma_wait3A_270 = tpu.memref_slice %arg10[%dma_wait3A_267, %dma_wait3A_268, %dma_wait3A_269] : memref<5x40x128xf32, #tpu.memory_space<vmem>> -> memref<1x40x128xf32, #tpu.memory_space<vmem>>
      %dma_wait3A_271 = tpu.memref_squeeze %dma_wait3A_270 : memref<1x40x128xf32, #tpu.memory_space<vmem>> -> memref<40x128xf32, #tpu.memory_space<vmem>>
      %dma_wait3A_272 = tpu.memref_slice %arg8[%mul3A_266] : memref<10000xi32, #tpu.memory_space<vmem>> -> memref<40xi32, #tpu.memory_space<vmem>>
      %dma_wait3A_273 = arith.constant 0 : i32
      %dma_wait3A_274 = arith.constant 0 : i32
      %dma_wait3A_275 = tpu.memref_slice %arg2[%dma_wait3A_273, %dma_wait3A_274] : memref<5120x128xf32, #tpu.memory_space<hbm>> -> memref<5120x128xf32, #tpu.memory_space<hbm>>
      tpu.wait_indirect_dma semaphore(%arg15 : memref<!tpu.dma_semaphore, #tpu.memory_space<semaphore_mem>>) src(%dma_wait3A_275 : memref<5120x128xf32, #tpu.memory_space<hbm>>) dst(%dma_wait3A_271 : memref<40x128xf32, #tpu.memory_space<vmem>>)
      %mul3A_276 = arith.constant 40 : i32
      %mul3A_277 = arith.muli %add3A_264, %mul3A_276 : i32
      %dma_start3A_278 = arith.constant 4 : i32
      %dma_start3A_279 = arith.constant 0 : i32
      %dma_start3A_280 = arith.constant 0 : i32
      %dma_start3A_281 = tpu.memref_slice %arg10[%dma_start3A_278, %dma_start3A_279, %dma_start3A_280] : memref<5x40x128xf32, #tpu.memory_space<vmem>> -> memref<1x40x128xf32, #tpu.memory_space<vmem>>
      %dma_start3A_282 = tpu.memref_squeeze %dma_start3A_281 : memref<1x40x128xf32, #tpu.memory_space<vmem>> -> memref<40x128xf32, #tpu.memory_space<vmem>>
      %dma_start3A_283 = tpu.memref_slice %arg9[%mul3A_277] : memref<10000xi32, #tpu.memory_space<vmem>> -> memref<40xi32, #tpu.memory_space<vmem>>
      %dma_start3A_284 = arith.constant 0 : i32
      %dma_start3A_285 = arith.constant 0 : i32
      %dma_start3A_286 = tpu.memref_slice %arg7[%dma_start3A_284, %dma_start3A_285] : memref<10112x128xf32, #tpu.memory_space<vmem_shared>> -> memref<10112x128xf32, #tpu.memory_space<vmem_shared>>
      tpu.enqueue_indirect_dma source(%dma_start3A_282 : memref<40x128xf32, #tpu.memory_space<vmem>>) target(%dma_start3A_286 : memref<10112x128xf32, #tpu.memory_space<vmem_shared>>) offsets(%dma_start3A_283 : memref<40xi32, #tpu.memory_space<vmem>>) semaphore(%arg20 : memref<!tpu.dma_semaphore, #tpu.memory_space<semaphore_mem>>) {add = true}
      %add3A_287 = arith.constant 2 : i32
      %add3A_288 = arith.addi %add3A_264, %add3A_287 : i32
      %sub3A_289 = arith.constant 5 : i32
      %sub3A_290 = arith.subi %add3A_288, %sub3A_289 : i32
      %ge3A_291 = arith.constant 5 : i32
      %ge3A_292 = arith.cmpi sge, %add3A_288, %ge3A_291 : i32
      %lt3A_293 = arith.constant 250 : i32
      %lt3A_294 = arith.cmpi slt, %add3A_288, %lt3A_293 : i32
      %and3A_295 = arith.andi %ge3A_292, %lt3A_294 : i1
      %convert_element_type3A_296 = arith.extui %and3A_295 : i1 to i32
      %cond3A_297 = arith.constant 0 : i32
      %cond3A_298 = arith.cmpi ne, %convert_element_type3A_296, %cond3A_297 : i32
      scf.if %cond3A_298 {
        %mul3A_299 = arith.constant 40 : i32
        %mul3A_300 = arith.muli %sub3A_290, %mul3A_299 : i32
        %dma_wait3A_301 = arith.constant 1 : i32
        %dma_wait3A_302 = arith.constant 0 : i32
        %dma_wait3A_303 = arith.constant 0 : i32
        %dma_wait3A_304 = tpu.memref_slice %arg10[%dma_wait3A_301, %dma_wait3A_302, %dma_wait3A_303] : memref<5x40x128xf32, #tpu.memory_space<vmem>> -> memref<1x40x128xf32, #tpu.memory_space<vmem>>
        %dma_wait3A_305 = tpu.memref_squeeze %dma_wait3A_304 : memref<1x40x128xf32, #tpu.memory_space<vmem>> -> memref<40x128xf32, #tpu.memory_space<vmem>>
        %dma_wait3A_306 = tpu.memref_slice %arg9[%mul3A_300] : memref<10000xi32, #tpu.memory_space<vmem>> -> memref<40xi32, #tpu.memory_space<vmem>>
        %dma_wait3A_307 = arith.constant 0 : i32
        %dma_wait3A_308 = arith.constant 0 : i32
        %dma_wait3A_309 = tpu.memref_slice %arg7[%dma_wait3A_307, %dma_wait3A_308] : memref<10112x128xf32, #tpu.memory_space<vmem_shared>> -> memref<10112x128xf32, #tpu.memory_space<vmem_shared>>
        tpu.wait_indirect_dma semaphore(%arg17 : memref<!tpu.dma_semaphore, #tpu.memory_space<semaphore_mem>>) src(%dma_wait3A_305 : memref<40x128xf32, #tpu.memory_space<vmem>>) dst(%dma_wait3A_309 : memref<10112x128xf32, #tpu.memory_space<vmem_shared>>)
        %mul3A_310 = arith.constant 40 : i32
        %mul3A_311 = arith.muli %add3A_288, %mul3A_310 : i32
        %dma_start3A_312 = arith.constant 1 : i32
        %dma_start3A_313 = arith.constant 0 : i32
        %dma_start3A_314 = arith.constant 0 : i32
        %dma_start3A_315 = tpu.memref_slice %arg10[%dma_start3A_312, %dma_start3A_313, %dma_start3A_314] : memref<5x40x128xf32, #tpu.memory_space<vmem>> -> memref<1x40x128xf32, #tpu.memory_space<vmem>>
        %dma_start3A_316 = tpu.memref_squeeze %dma_start3A_315 : memref<1x40x128xf32, #tpu.memory_space<vmem>> -> memref<40x128xf32, #tpu.memory_space<vmem>>
        %dma_start3A_317 = tpu.memref_slice %arg8[%mul3A_311] : memref<10000xi32, #tpu.memory_space<vmem>> -> memref<40xi32, #tpu.memory_space<vmem>>
        %dma_start3A_318 = arith.constant 0 : i32
        %dma_start3A_319 = arith.constant 0 : i32
        %dma_start3A_320 = tpu.memref_slice %arg2[%dma_start3A_318, %dma_start3A_319] : memref<5120x128xf32, #tpu.memory_space<hbm>> -> memref<5120x128xf32, #tpu.memory_space<hbm>>
        tpu.enqueue_indirect_dma source(%dma_start3A_320 : memref<5120x128xf32, #tpu.memory_space<hbm>>) target(%dma_start3A_316 : memref<40x128xf32, #tpu.memory_space<vmem>>) offsets(%dma_start3A_317 : memref<40xi32, #tpu.memory_space<vmem>>) semaphore(%arg12 : memref<!tpu.dma_semaphore, #tpu.memory_space<semaphore_mem>>)
      } else {
      }
    }
    %scan3A_55 = arith.constant 50 : i32
    %dma_wait3A = arith.constant 0 : i32
    %dma_wait3A_56 = arith.constant 0 : i32
    %dma_wait3A_57 = arith.constant 0 : i32
    %dma_wait3A_58 = tpu.memref_slice %arg10[%dma_wait3A, %dma_wait3A_56, %dma_wait3A_57] : memref<5x40x128xf32, #tpu.memory_space<vmem>> -> memref<1x40x128xf32, #tpu.memory_space<vmem>>
    %dma_wait3A_59 = tpu.memref_squeeze %dma_wait3A_58 : memref<1x40x128xf32, #tpu.memory_space<vmem>> -> memref<40x128xf32, #tpu.memory_space<vmem>>
    %dma_wait3A_60 = arith.constant 9800 : i32
    %dma_wait3A_61 = tpu.memref_slice %arg9[%dma_wait3A_60] : memref<10000xi32, #tpu.memory_space<vmem>> -> memref<40xi32, #tpu.memory_space<vmem>>
    %dma_wait3A_62 = arith.constant 0 : i32
    %dma_wait3A_63 = arith.constant 0 : i32
    %dma_wait3A_64 = tpu.memref_slice %arg7[%dma_wait3A_62, %dma_wait3A_63] : memref<10112x128xf32, #tpu.memory_space<vmem_shared>> -> memref<10112x128xf32, #tpu.memory_space<vmem_shared>>
    tpu.wait_indirect_dma semaphore(%arg16 : memref<!tpu.dma_semaphore, #tpu.memory_space<semaphore_mem>>) src(%dma_wait3A_59 : memref<40x128xf32, #tpu.memory_space<vmem>>) dst(%dma_wait3A_64 : memref<10112x128xf32, #tpu.memory_space<vmem_shared>>)
    %dma_wait3A_65 = arith.constant 1 : i32
    %dma_wait3A_66 = arith.constant 0 : i32
    %dma_wait3A_67 = arith.constant 0 : i32
    %dma_wait3A_68 = tpu.memref_slice %arg10[%dma_wait3A_65, %dma_wait3A_66, %dma_wait3A_67] : memref<5x40x128xf32, #tpu.memory_space<vmem>> -> memref<1x40x128xf32, #tpu.memory_space<vmem>>
    %dma_wait3A_69 = tpu.memref_squeeze %dma_wait3A_68 : memref<1x40x128xf32, #tpu.memory_space<vmem>> -> memref<40x128xf32, #tpu.memory_space<vmem>>
    %dma_wait3A_70 = arith.constant 9840 : i32
    %dma_wait3A_71 = tpu.memref_slice %arg9[%dma_wait3A_70] : memref<10000xi32, #tpu.memory_space<vmem>> -> memref<40xi32, #tpu.memory_space<vmem>>
    %dma_wait3A_72 = arith.constant 0 : i32
    %dma_wait3A_73 = arith.constant 0 : i32
    %dma_wait3A_74 = tpu.memref_slice %arg7[%dma_wait3A_72, %dma_wait3A_73] : memref<10112x128xf32, #tpu.memory_space<vmem_shared>> -> memref<10112x128xf32, #tpu.memory_space<vmem_shared>>
    tpu.wait_indirect_dma semaphore(%arg17 : memref<!tpu.dma_semaphore, #tpu.memory_space<semaphore_mem>>) src(%dma_wait3A_69 : memref<40x128xf32, #tpu.memory_space<vmem>>) dst(%dma_wait3A_74 : memref<10112x128xf32, #tpu.memory_space<vmem_shared>>)
    %dma_wait3A_75 = arith.constant 2 : i32
    %dma_wait3A_76 = arith.constant 0 : i32
    %dma_wait3A_77 = arith.constant 0 : i32
    %dma_wait3A_78 = tpu.memref_slice %arg10[%dma_wait3A_75, %dma_wait3A_76, %dma_wait3A_77] : memref<5x40x128xf32, #tpu.memory_space<vmem>> -> memref<1x40x128xf32, #tpu.memory_space<vmem>>
    %dma_wait3A_79 = tpu.memref_squeeze %dma_wait3A_78 : memref<1x40x128xf32, #tpu.memory_space<vmem>> -> memref<40x128xf32, #tpu.memory_space<vmem>>
    %dma_wait3A_80 = arith.constant 9880 : i32
    %dma_wait3A_81 = tpu.memref_slice %arg9[%dma_wait3A_80] : memref<10000xi32, #tpu.memory_space<vmem>> -> memref<40xi32, #tpu.memory_space<vmem>>
    %dma_wait3A_82 = arith.constant 0 : i32
    %dma_wait3A_83 = arith.constant 0 : i32
    %dma_wait3A_84 = tpu.memref_slice %arg7[%dma_wait3A_82, %dma_wait3A_83] : memref<10112x128xf32, #tpu.memory_space<vmem_shared>> -> memref<10112x128xf32, #tpu.memory_space<vmem_shared>>
    tpu.wait_indirect_dma semaphore(%arg18 : memref<!tpu.dma_semaphore, #tpu.memory_space<semaphore_mem>>) src(%dma_wait3A_79 : memref<40x128xf32, #tpu.memory_space<vmem>>) dst(%dma_wait3A_84 : memref<10112x128xf32, #tpu.memory_space<vmem_shared>>)
    %dma_wait3A_85 = arith.constant 3 : i32
    %dma_wait3A_86 = arith.constant 0 : i32
    %dma_wait3A_87 = arith.constant 0 : i32
    %dma_wait3A_88 = tpu.memref_slice %arg10[%dma_wait3A_85, %dma_wait3A_86, %dma_wait3A_87] : memref<5x40x128xf32, #tpu.memory_space<vmem>> -> memref<1x40x128xf32, #tpu.memory_space<vmem>>
    %dma_wait3A_89 = tpu.memref_squeeze %dma_wait3A_88 : memref<1x40x128xf32, #tpu.memory_space<vmem>> -> memref<40x128xf32, #tpu.memory_space<vmem>>
    %dma_wait3A_90 = arith.constant 9920 : i32
    %dma_wait3A_91 = tpu.memref_slice %arg9[%dma_wait3A_90] : memref<10000xi32, #tpu.memory_space<vmem>> -> memref<40xi32, #tpu.memory_space<vmem>>
    %dma_wait3A_92 = arith.constant 0 : i32
    %dma_wait3A_93 = arith.constant 0 : i32
    %dma_wait3A_94 = tpu.memref_slice %arg7[%dma_wait3A_92, %dma_wait3A_93] : memref<10112x128xf32, #tpu.memory_space<vmem_shared>> -> memref<10112x128xf32, #tpu.memory_space<vmem_shared>>
    tpu.wait_indirect_dma semaphore(%arg19 : memref<!tpu.dma_semaphore, #tpu.memory_space<semaphore_mem>>) src(%dma_wait3A_89 : memref<40x128xf32, #tpu.memory_space<vmem>>) dst(%dma_wait3A_94 : memref<10112x128xf32, #tpu.memory_space<vmem_shared>>)
    %dma_wait3A_95 = arith.constant 4 : i32
    %dma_wait3A_96 = arith.constant 0 : i32
    %dma_wait3A_97 = arith.constant 0 : i32
    %dma_wait3A_98 = tpu.memref_slice %arg10[%dma_wait3A_95, %dma_wait3A_96, %dma_wait3A_97] : memref<5x40x128xf32, #tpu.memory_space<vmem>> -> memref<1x40x128xf32, #tpu.memory_space<vmem>>
    %dma_wait3A_99 = tpu.memref_squeeze %dma_wait3A_98 : memref<1x40x128xf32, #tpu.memory_space<vmem>> -> memref<40x128xf32, #tpu.memory_space<vmem>>
    %dma_wait3A_100 = arith.constant 9960 : i32
    %dma_wait3A_101 = tpu.memref_slice %arg9[%dma_wait3A_100] : memref<10000xi32, #tpu.memory_space<vmem>> -> memref<40xi32, #tpu.memory_space<vmem>>
    %dma_wait3A_102 = arith.constant 0 : i32
    %dma_wait3A_103 = arith.constant 0 : i32
    %dma_wait3A_104 = tpu.memref_slice %arg7[%dma_wait3A_102, %dma_wait3A_103] : memref<10112x128xf32, #tpu.memory_space<vmem_shared>> -> memref<10112x128xf32, #tpu.memory_space<vmem_shared>>
    tpu.wait_indirect_dma semaphore(%arg20 : memref<!tpu.dma_semaphore, #tpu.memory_space<semaphore_mem>>) src(%dma_wait3A_99 : memref<40x128xf32, #tpu.memory_space<vmem>>) dst(%dma_wait3A_104 : memref<10112x128xf32, #tpu.memory_space<vmem_shared>>)
    %barrier3A_105 = arith.constant 0 : index
    tpu.barrier barrier_id(%barrier3A_105)
    %mul3A_106 = arith.constant 632 : i32
    %mul3A_107 = arith.muli %arg1, %mul3A_106 : i32
    %mul3A_108 = arith.constant 632 : i32
    %mul3A_109 = arith.muli %arg1, %mul3A_108 : i32
    "tpu.region"() ({
      %run_scoped3A = tpu.sem_alloc : memref<!tpu.dma_semaphore, #tpu.memory_space<semaphore_mem>>
      %dma_start3A_110 = arith.constant 0 : i32
      %dma_start3A_111 = tpu.memref_slice %arg6[%arg0, %mul3A_109, %dma_start3A_110] : memref<2x10112x128xf32, #tpu.memory_space<hbm>> -> memref<1x632x128xf32, #tpu.memory_space<hbm>>
      %dma_start3A_112 = tpu.memref_squeeze %dma_start3A_111 : memref<1x632x128xf32, #tpu.memory_space<hbm>> -> memref<632x128xf32, #tpu.memory_space<hbm>>
      %dma_start3A_113 = arith.constant 0 : i32
      %dma_start3A_114 = tpu.memref_slice %arg7[%mul3A_107, %dma_start3A_113] : memref<10112x128xf32, #tpu.memory_space<vmem_shared>> -> memref<632x128xf32, #tpu.memory_space<vmem_shared>>
      tpu.enqueue_dma source(%dma_start3A_114 : memref<632x128xf32, #tpu.memory_space<vmem_shared>>) target(%dma_start3A_112 : memref<632x128xf32, #tpu.memory_space<hbm>>) target_semaphore(%run_scoped3A : memref<!tpu.dma_semaphore, #tpu.memory_space<semaphore_mem>>)
      %dma_wait3A_115 = arith.constant 0 : i32
      %dma_wait3A_116 = tpu.memref_slice %arg6[%arg0, %mul3A_109, %dma_wait3A_115] : memref<2x10112x128xf32, #tpu.memory_space<hbm>> -> memref<1x632x128xf32, #tpu.memory_space<hbm>>
      %dma_wait3A_117 = tpu.memref_squeeze %dma_wait3A_116 : memref<1x632x128xf32, #tpu.memory_space<hbm>> -> memref<632x128xf32, #tpu.memory_space<hbm>>
      %dma_wait3A_118 = arith.constant 0 : i32
      %dma_wait3A_119 = tpu.memref_slice %arg7[%mul3A_107, %dma_wait3A_118] : memref<10112x128xf32, #tpu.memory_space<vmem_shared>> -> memref<632x128xf32, #tpu.memory_space<vmem_shared>>
      tpu.wait_dma2 semaphore(%run_scoped3A : memref<!tpu.dma_semaphore, #tpu.memory_space<semaphore_mem>>) src(%dma_wait3A_119 : memref<632x128xf32, #tpu.memory_space<vmem_shared>>) dst(%dma_wait3A_117 : memref<632x128xf32, #tpu.memory_space<hbm>>)
      tpu.yield
    }) : () -> ()
    return
  }
}

module attributes {stable_mosaic.version = 14 : i64} {
  func.func @_norm_body(%arg0: i32, %arg1: memref<2x256x128xf32, #tpu.memory_space<vmem>>, %arg2: memref<32x256xf32, #tpu.memory_space<vmem>>, %arg3: memref<256x1xf32, #tpu.memory_space<vmem>>, %arg4: memref<256x128xf32, #tpu.memory_space<vmem>>) attributes {dimension_semantics = [#tpu.dimension_semantics<arbitrary>], iteration_bounds = array<i64: 20>, scalar_prefetch = 0 : i64, scratch_operands = 0 : i64, tpu.core_type = #tpu.core_type<tc>, window_params = [{transform_indices = @transform_0, window_bounds = array<i64: 2, 256, 128>}, {transform_indices = @transform_1, window_bounds = array<i64: 32, 256>}, {transform_indices = @transform_2, window_bounds = array<i64: 256, 1>}, {transform_indices = @transform_3, window_bounds = array<i64: 256, 128>}]} {
    %get3A = arith.constant 0 : index
    %get3A_0 = arith.constant 0 : index
    %get3A_1 = arith.constant 0 : index
    %get3A_2 = vector.load %arg1[%get3A, %get3A_0, %get3A_1] : memref<2x256x128xf32, #tpu.memory_space<vmem>>, vector<1x256x128xf32>
    %get3A_3 = vector.shape_cast %get3A_2 : vector<1x256x128xf32> to vector<256x128xf32>
    %get3A_4 = arith.constant 1 : index
    %get3A_5 = arith.constant 0 : index
    %get3A_6 = arith.constant 0 : index
    %get3A_7 = vector.load %arg1[%get3A_4, %get3A_5, %get3A_6] : memref<2x256x128xf32, #tpu.memory_space<vmem>>, vector<1x256x128xf32>
    %get3A_8 = vector.shape_cast %get3A_7 : vector<1x256x128xf32> to vector<256x128xf32>
    %add3A = arith.addf %get3A_3, %get3A_8 : vector<256x128xf32>
    %get3A_9 = arith.constant 0 : index
    %get3A_10 = arith.constant 0 : index
    %get3A_11 = vector.load %arg2[%get3A_9, %get3A_10] : memref<32x256xf32, #tpu.memory_space<vmem>>, vector<32x256xf32>
    %reduce_sum3A = arith.constant dense<0.000000e+00> : vector<256xf32>
    %reduce_sum3A_12 = vector.multi_reduction <add>, %get3A_11, %reduce_sum3A [0] : vector<32x256xf32> to vector<256xf32>
    %broadcast_in_dim3A = vector.shape_cast %reduce_sum3A_12 : vector<256xf32> to vector<256x1xf32>
    %get3A_13 = arith.constant 0 : index
    %get3A_14 = arith.constant 0 : index
    %get3A_15 = vector.load %arg3[%get3A_13, %get3A_14] : memref<256x1xf32, #tpu.memory_space<vmem>>, vector<256x1xf32>
    %max3A = arith.constant 1.000000e+00 : f32
    %max3A_16 = vector.broadcast %max3A : f32 to vector<256x1xf32>
    %max3A_17 = arith.maximumf %broadcast_in_dim3A, %max3A_16 : vector<256x1xf32>
    %div3A = arith.divf %get3A_15, %max3A_17 : vector<256x1xf32>
    %mul3A = vector.broadcast %div3A : vector<256x1xf32> to vector<256x128xf32>
    %mul3A_18 = arith.mulf %add3A, %mul3A : vector<256x128xf32>
    %swap3A = arith.constant 0 : index
    %swap3A_19 = arith.constant 0 : index
    %swap3A_20 = vector.load %arg4[%swap3A, %swap3A_19] : memref<256x128xf32, #tpu.memory_space<vmem>>, vector<256x128xf32>
    tpu.vector_store %arg4[%swap3A, %swap3A_19], %mul3A_18 {strides = array<i32>} : memref<256x128xf32, #tpu.memory_space<vmem>>, vector<256x128xf32>,
    return
  }
  func.func @transform_0(%arg0: i32) -> (i32, i32, i32) {
    %c0_i32 = arith.constant 0 : i32
    %c0_i32_0 = arith.constant 0 : i32
    %c0_i32_1 = arith.constant 0 : i32
    return %c0_i32, %arg0, %c0_i32_0 : i32, i32, i32
  }
  func.func @transform_1(%arg0: i32) -> (i32, i32) {
    %c0_i32 = arith.constant 0 : i32
    %c0_i32_0 = arith.constant 0 : i32
    return %c0_i32, %arg0 : i32, i32
  }
  func.func @transform_2(%arg0: i32) -> (i32, i32) {
    %c0_i32 = arith.constant 0 : i32
    %c0_i32_0 = arith.constant 0 : i32
    return %arg0, %c0_i32 : i32, i32
  }
  func.func @transform_3(%arg0: i32) -> (i32, i32) {
    %c0_i32 = arith.constant 0 : i32
    %c0_i32_0 = arith.constant 0 : i32
    return %arg0, %c0_i32 : i32, i32
  }
}

module attributes {stable_mosaic.version = 14 : i64} {
  func.func @_final_body(%arg0: i32, %arg1: memref<2x400x128xf32, #tpu.memory_space<vmem>>, %arg2: memref<400x1xf32, #tpu.memory_space<vmem>>, %arg3: memref<400x128xf32, #tpu.memory_space<vmem>>, %arg4: memref<128x128xf32, #tpu.memory_space<vmem>>, %arg5: memref<1x2xf32, #tpu.memory_space<vmem>>, %arg6: memref<400x128xf32, #tpu.memory_space<vmem>>) attributes {dimension_semantics = [#tpu.dimension_semantics<arbitrary>], iteration_bounds = array<i64: 25>, scalar_prefetch = 0 : i64, scratch_operands = 0 : i64, tpu.core_type = #tpu.core_type<tc>, window_params = [{transform_indices = @transform_0, window_bounds = array<i64: 2, 400, 128>}, {transform_indices = @transform_1, window_bounds = array<i64: 400, 1>}, {transform_indices = @transform_2, window_bounds = array<i64: 400, 128>}, {pipeline_mode = #tpu.pipeline_mode<synchronous>, transform_indices = @transform_3, window_bounds = array<i64: 128, 128>}, {pipeline_mode = #tpu.pipeline_mode<synchronous>, transform_indices = @transform_4, window_bounds = array<i64: 1, 2>}, {transform_indices = @transform_5, window_bounds = array<i64: 400, 128>}]} {
    %get3A = arith.constant 0 : index
    %get3A_0 = arith.constant 0 : index
    %get3A_1 = vector.load %arg5[%get3A, %get3A_0] : memref<1x2xf32, #tpu.memory_space<vmem>>, vector<1x1xf32>
    %get3A_2 = vector.extract %get3A_1[0, 0] : f32 from vector<1x1xf32>
    %get3A_3 = arith.constant 0 : index
    %get3A_4 = arith.constant 1 : index
    %get3A_5 = vector.load %arg5[%get3A_3, %get3A_4] : memref<1x2xf32, #tpu.memory_space<vmem>>, vector<1x1xf32>
    %get3A_6 = vector.extract %get3A_5[0, 0] : f32 from vector<1x1xf32>
    %get3A_7 = arith.constant 0 : index
    %get3A_8 = arith.constant 0 : index
    %get3A_9 = arith.constant 0 : index
    %get3A_10 = vector.load %arg1[%get3A_7, %get3A_8, %get3A_9] : memref<2x400x128xf32, #tpu.memory_space<vmem>>, vector<1x400x128xf32>
    %get3A_11 = vector.shape_cast %get3A_10 : vector<1x400x128xf32> to vector<400x128xf32>
    %get3A_12 = arith.constant 1 : index
    %get3A_13 = arith.constant 0 : index
    %get3A_14 = arith.constant 0 : index
    %get3A_15 = vector.load %arg1[%get3A_12, %get3A_13, %get3A_14] : memref<2x400x128xf32, #tpu.memory_space<vmem>>, vector<1x400x128xf32>
    %get3A_16 = vector.shape_cast %get3A_15 : vector<1x400x128xf32> to vector<400x128xf32>
    %add3A = arith.addf %get3A_11, %get3A_16 : vector<400x128xf32>
    %sub3A = arith.constant 1.000000e+00 : f32
    %sub3A_17 = arith.subf %sub3A, %get3A_2 : f32
    %mul3A = vector.broadcast %sub3A_17 : f32 to vector<400x128xf32>
    %mul3A_18 = arith.mulf %mul3A, %add3A : vector<400x128xf32>
    %get3A_19 = arith.constant 0 : index
    %get3A_20 = arith.constant 0 : index
    %get3A_21 = vector.load %arg2[%get3A_19, %get3A_20] : memref<400x1xf32, #tpu.memory_space<vmem>>, vector<400x1xf32>
    %mul3A_22 = vector.broadcast %get3A_21 : vector<400x1xf32> to vector<400x128xf32>
    %mul3A_23 = arith.mulf %mul3A_18, %mul3A_22 : vector<400x128xf32>
    %get3A_24 = arith.constant 0 : index
    %get3A_25 = arith.constant 0 : index
    %get3A_26 = vector.load %arg3[%get3A_24, %get3A_25] : memref<400x128xf32, #tpu.memory_space<vmem>>, vector<400x128xf32>
    %mul3A_27 = vector.broadcast %get3A_2 : f32 to vector<400x128xf32>
    %mul3A_28 = arith.mulf %mul3A_27, %get3A_26 : vector<400x128xf32>
    %add3A_29 = arith.addf %mul3A_23, %mul3A_28 : vector<400x128xf32>
    %sub3A_30 = arith.constant 1.000000e+00 : f32
    %sub3A_31 = arith.subf %sub3A_30, %get3A_6 : f32
    %mul3A_32 = vector.broadcast %sub3A_31 : f32 to vector<400x128xf32>
    %mul3A_33 = arith.mulf %mul3A_32, %add3A_29 : vector<400x128xf32>
    %get3A_34 = arith.constant 0 : index
    %get3A_35 = arith.constant 0 : index
    %get3A_36 = vector.load %arg4[%get3A_34, %get3A_35] : memref<128x128xf32, #tpu.memory_space<vmem>>, vector<128x128xf32>
    %dot_general3A = arith.constant dense<0.000000e+00> : vector<400x128xf32>
    %dot_general3A_37 = tpu.matmul %add3A_29, %get3A_36, %dot_general3A {dimension_numbers = #tpu.dot_dimension_numbers<[1], [0], [0], [1], [0, 0, 1, 1], [], []>, transpose_lhs_hint = false} : vector<400x128xf32>, vector<128x128xf32>, vector<400x128xf32> -> vector<400x128xf32>
    %mul3A_38 = vector.broadcast %get3A_6 : f32 to vector<400x128xf32>
    %mul3A_39 = arith.mulf %mul3A_38, %dot_general3A_37 : vector<400x128xf32>
    %add3A_40 = arith.addf %mul3A_33, %mul3A_39 : vector<400x128xf32>
    %swap3A = arith.constant 0 : index
    %swap3A_41 = arith.constant 0 : index
    %swap3A_42 = vector.load %arg6[%swap3A, %swap3A_41] : memref<400x128xf32, #tpu.memory_space<vmem>>, vector<400x128xf32>
    tpu.vector_store %arg6[%swap3A, %swap3A_41], %add3A_40 {strides = array<i32>} : memref<400x128xf32, #tpu.memory_space<vmem>>, vector<400x128xf32>,
    return
  }
  func.func @transform_0(%arg0: i32) -> (i32, i32, i32) {
    %c0_i32 = arith.constant 0 : i32
    %c0_i32_0 = arith.constant 0 : i32
    %c0_i32_1 = arith.constant 0 : i32
    return %c0_i32, %arg0, %c0_i32_0 : i32, i32, i32
  }
  func.func @transform_1(%arg0: i32) -> (i32, i32) {
    %c0_i32 = arith.constant 0 : i32
    %c0_i32_0 = arith.constant 0 : i32
    return %arg0, %c0_i32 : i32, i32
  }
  func.func @transform_2(%arg0: i32) -> (i32, i32) {
    %c0_i32 = arith.constant 0 : i32
    %c0_i32_0 = arith.constant 0 : i32
    return %arg0, %c0_i32 : i32, i32
  }
  func.func @transform_3(%arg0: i32) -> (i32, i32) {
    %c0_i32 = arith.constant 0 : i32
    %c0_i32_0 = arith.constant 0 : i32
    %c0_i32_1 = arith.constant 0 : i32
    return %c0_i32, %c0_i32_0 : i32, i32
  }
  func.func @transform_4(%arg0: i32) -> (i32, i32) {
    %c0_i32 = arith.constant 0 : i32
    %c0_i32_0 = arith.constant 0 : i32
    %c0_i32_1 = arith.constant 0 : i32
    return %c0_i32, %c0_i32_0 : i32, i32
  }
  func.func @transform_5(%arg0: i32) -> (i32, i32) {
    %c0_i32 = arith.constant 0 : i32
    %c0_i32_0 = arith.constant 0 : i32
    return %arg0, %c0_i32 : i32, i32
  }
}

</mosaic_0001>

<sc_bundles>
// kernel: kernel.6.cloned.1.call-start
scs
__scs_entry_jumppad:
0x0: {  	(pc) =	sbr.rel $0x88, $3  }
0x1: {  	(tag) =	ssettag $0x0;
	lr =	simm.s32 $0x1  }
0x2: {  	[smem:$0x3F98] =	sst lr;
	_ =	strace $0xD0000000  }
0x3: {  	_ = 	snop  }
0x4: {  	_ = 	snop  }
0x5: {  	_ = 	snop  }
0x6: {  	_ = 	snop  }
0x7: {  	_ = 	snop  }
__scs_overlays_trampoline_lowered:
0x8: {  	[smem:$0x3FA7] =	sst s0  }
0x9: {  	[smem:$0x3FA8] =	sst s1  }
0xa: {  	[smem:$0x3FA9] =	sst s2  }
0xb: {  	[smem:$0x3FAA] =	sst s3  }
0xc: {  	[smem:$0x3FAB] =	sst s4  }
0xd: {  	[smem:$0x3FAC] =	sst s5  }
0xe: {  	[smem:$0x3FAD] =	sst s6  }
0xf: {  	[smem:$0x3FAE] =	sst s7  }
0x10: {  	[smem:$0x3FAF] =	sst s8  }
0x11: {  	[smem:$0x3FB0] =	sst s9;
	s0 =	simm.s32 @!p0 $0x0  }
0x12: {  	s1 =	sld [smem:$0x3F96];
	s0 =	simm.s32 @p0 $0x1  }
0x13: {  	[smem:$0x3FB1] =	sst s0;
	s0 =	simm.s32 @!p1 $0x0  }
0x14: {  	s2 =	sld [smem:$0x3F95];
	s0 =	simm.s32 @p1 $0x1  }
0x15: {  	[smem:$0x3FB2] =	sst s0;
	s0 =	simm.s32 @!p2 $0x0  }
0x16: {  	s3 =	sld [smem:$0x3FDB];
	s0 =	simm.s32 @p2 $0x1  }
0x17: {  	s4 =	simm.s32 $0x1BF5;
	[smem:$0x3FB4] =	sst s0  }
0x18: {  	s0 =	sld [smem:$0x3F97];
	_ =	swait.ge [sflag:s4], $0x0  }
0x19: {  	s7 =	sld [smem:$0x3F98]  }
0x1a: {  	s8 =	sadd.s32 $0xFFFFE003, lr  }
0x1b: {  	s9 =	sadd.s32 $0xFFFFFEF7, lr;
	s5 =	simm.s32 $0xFFFFFFFF;
	p2 =	slt.u32 s8, $0xFFFFF086  }
0x1c: {  	p1 =	slt.u32 s9, $0xF7A;
	s5 =	simm.s32 @!p2 $0x0  }
0x1d: {  	s5 =	simm.s32 @p1 $0x1;
	p0 =	seq.s32 s7, s2  }
0x1e: {  	s7 =	smul.u32 @!p0 $0xF7A, s2;
	p2 =	seq.s32 @!p0 s5, $0x0  }
0x1f: {  	s9 =	smul.u32 $0xF7A, s1;
	s8 =	simm.s32 @!p0 $0x1BF5;
	p2 =	por !p2, p0  }
0x20: {  	[sflag:s8] =	ssyncset.s32 @!p0 $0xFFFFF086;
	s6 =	sadd.s32 @!p0 s3, s7;
	s7 =	simm.s32 @!p0 $0x108  }
0x21: {  	s3 =	sadd.s32 s3, s9;
	s6 =	sadd.s32 @!p0 $0x88, s6;
	s7 =	simm.s32 @p2 $0x1082  }
0x22: {  	[simem:s7], [sflag:s8] =	dma.local @!p0 [hbm:s6], $0xF7A  }
0x23: {  	s9 =	sor.u32 $0xD0000000, s2;
	s6 =	simm.s32 $0x108;
	_ =	swait.ge @!p0 [sflag:s8], $0x0  }
0x24: {  	s3 =	sadd.s32 $0x88, s3;
	s6 =	simm.s32 @!p1 $0x1082;
	[sflag:s4] =	ssyncset.s32 $0xFFFFF086  }
0x25: {  	[simem:s6], [sflag:s4] =	dma.local [hbm:s3], $0xF7A  }
0x26: {  	[smem:$0x3F98] =	sst s1;
	(tag) =	ssettag s2;
	_ =	strace s9  }
0x27: {  	s1 =	sld [smem:$0x3FA8]  }
0x28: {  	s2 =	sld [smem:$0x3FA9]  }
0x29: {  	s4 =	sld [smem:$0x3FAB]  }
0x2a: {  	p0 =	seq.s32 s5, $0x0;
	s5 =	sld [smem:$0x3FAC]  }
0x2b: {  	s6 =	sld [smem:$0x3FAD]  }
0x2c: {  	s7 =	sld [smem:$0x3FAE]  }
0x2d: {  	s3 =	simm.s32 $0x108;
	s8 =	sld [smem:$0x3FAF]  }
0x2e: {  	s3 =	simm.s32 @!p0 $0x1082;
	s9 =	sld [smem:$0x3FB0]  }
0x2f: {  	lr =	sadd.s32 s0, s3;
	s0 =	sld [smem:$0x3FA7]  }
0x30: {  	s3 =	sld [smem:$0x3FAA]  }
0x31: {  	[smem:$0x3FB3] =	sst s10  }
0x32: {  	s10 =	sld [smem:$0x3FB1];
	_ =	sdelay $0x3  }
0x33: {  	p0 =	seq.s32 s10, $0x1;
	s10 =	sld [smem:$0x3FB3];
	_ =	sdelay $0x3  }
0x34: {  	[smem:$0x3FB3] =	sst s10  }
0x35: {  	s10 =	sld [smem:$0x3FB2];
	_ =	sdelay $0x3  }
0x36: {  	p1 =	seq.s32 s10, $0x1;
	s10 =	sld [smem:$0x3FB3];
	_ =	sdelay $0x3  }
0x37: {  	[smem:$0x3FB3] =	sst s10  }
0x38: {  	s10 =	sld [smem:$0x3FB4]  }
0x39: {  	_ = 	snop;
	(pc) =	sbr.ind lr, $3  }
0x3a: {  	_ = 	snop  }
0x3b: {  	_ = 	snop  }
0x3c: {  	p2 =	seq.s32 s10, $0x1;
	s10 =	sld [smem:$0x3FB3]  }
0x3d: {  	_ =	shalt  }
0x3e: {  	_ =	shalt  }
0x3f: {  	_ =	shalt  }
0x40: {  	_ =	shalt  }
0x41: {  	_ =	shalt  }
0x42: {  	_ =	shalt  }
0x43: {  	_ =	shalt  }
0x44: {  	_ =	shalt  }
0x45: {  	_ =	shalt  }
0x46: {  	_ =	shalt  }
0x47: {  	_ =	shalt  }
0x48: {  	_ =	shalt  }
0x49: {  	_ =	shalt  }
0x4a: {  	_ =	shalt  }
0x4b: {  	_ =	shalt  }
0x4c: {  	_ =	shalt  }
0x4d: {  	_ =	shalt  }
0x4e: {  	_ =	shalt  }
0x4f: {  	_ =	shalt  }
0x50: {  	_ =	shalt  }
0x51: {  	_ =	shalt  }
0x52: {  	_ =	shalt  }
0x53: {  	_ =	shalt  }
0x54: {  	_ =	shalt  }
0x55: {  	_ =	shalt  }
0x56: {  	_ =	shalt  }
0x57: {  	_ =	shalt  }
0x58: {  	_ =	shalt  }
0x59: {  	_ =	shalt  }
0x5a: {  	_ =	shalt  }
0x5b: {  	_ =	shalt  }
0x5c: {  	_ =	shalt  }
0x5d: {  	_ =	shalt  }
0x5e: {  	_ =	shalt  }
0x5f: {  	_ =	shalt  }
0x60: {  	_ =	shalt  }
0x61: {  	_ =	shalt  }
0x62: {  	_ =	shalt  }
0x63: {  	_ =	shalt  }
0x64: {  	_ =	shalt  }
0x65: {  	_ =	shalt  }
0x66: {  	_ =	shalt  }
0x67: {  	_ =	shalt  }
0x68: {  	_ =	shalt  }
0x69: {  	_ =	shalt  }
0x6a: {  	_ =	shalt  }
0x6b: {  	_ =	shalt  }
0x6c: {  	_ =	shalt  }
0x6d: {  	_ =	shalt  }
0x6e: {  	_ =	shalt  }
0x6f: {  	_ =	shalt  }
0x70: {  	_ =	shalt  }
0x71: {  	_ =	shalt  }
0x72: {  	_ =	shalt  }
0x73: {  	_ =	shalt  }
0x74: {  	_ =	shalt  }
0x75: {  	_ =	shalt  }
0x76: {  	_ =	shalt  }
0x77: {  	_ =	shalt  }
0x78: {  	_ =	shalt  }
0x79: {  	_ =	shalt  }
0x7a: {  	_ =	shalt  }
0x7b: {  	_ =	shalt  }
0x7c: {  	_ =	shalt  }
0x7d: {  	_ =	shalt  }
0x7e: {  	_ =	shalt  }
0x7f: {  	_ =	shalt  }
0x80: {  	_ =	shalt  }
0x81: {  	_ =	shalt  }
0x82: {  	_ =	shalt  }
0x83: {  	_ =	shalt  }
0x84: {  	_ =	shalt  }
0x85: {  	_ =	shalt  }
0x86: {  	_ =	shalt  }
0x87: {  	_ =	shalt  }
.Lfunc_end0:
.L_simem_size_0:
called_computation_lowered:
.L_overlay_start_0:
0x88: {  	s2 =	sld [smem:$0x3FD9]  }
0x89: {  	s3 =	sld [smem:$0x3FFE];
	_ =	sdelay $0x1  }
0x8a: {  	s1 =	srdreg.scid  }
0x8b: {  	s0 =	sand.u32 $0x1, s1  }
0x8c: {  	s17 =	sshll.u32 s0, $0xA;
	s2 =	sadd.s32 s3, s2  }
0x8d: {  	s2 =	sadd.s32 s2, s17  }
0x8e: {  	[smem:$0x3FBF] =	sst s2  }
0x8f: {  	_ = 	snop  }
0x90: {  	s2 =	sld [smem:$0x3FC9]  }
0x91: {  	s18 =	sld [smem:$0x3FD0];
	(tm) =	ssettm $0x1  }
0x92: {  	s4 =	sld [smem:$0x3FFB];
	_ =	sdelay $0x3  }
0x93: {  	_ =	strace s4  }
0x94: {  	s4 =	sld [smem:$0x3FFC];
	_ =	sdelay $0x3  }
0x95: {  	_ =	strace s4  }
0x96: {  	s4 =	sld [smem:$0x3FFD];
	_ =	sdelay $0x3  }
0x97: {  	_ =	strace s4  }
0x98: {  	_ =	strace $0x8FFFFFFF  }
0x99: {  	s19 =	sld [smem:$0x3FDB];
	_ =	sdelay $0x1  }
0x9a: {  	s5 =	simm.s32 $_scs_section_size  }
0x9b: {  	s6 =	simm.s32 $_size__tile_overlayer_lowered;
	s7 =	simm.s32 $_tile_overlayer_lowered  }
0x9c: {  	s22 =	simm.s32 $0x1BFF;
	s21 =	sshll.u32 s7, $0x1;
	s4 =	sadd.s32 s5, s19  }
0x9d: {  	s8 =	simm.s32 $0x0;
	s20 =	sshll.u32 s6, $0x1;
	s6 =	sadd.s32 s21, s4  }
0x9e: {  	[timem:s8], [sflag:s22] =	dma.local [hbm:s6], s20  }
0x9f: {  	_ =	swait.ge [sflag:s22], s20  }
0xa0: {  	s5 =	ssub.s32 $0x0, s20;
	[sflag:s22] =	ssyncset.done $0x0  }
0xa1: {  	[sflag:s22] =	ssyncadd.s32 s5;
	_ =	sdelay $0x1  }
0xa2: {  	s23 =	simm.s32 $0x1B8B  }
0xa3: {  	_ =	swait.ge [sflag:s23], $0x1  }
0xa4: {  	[sflag:s23] =	ssyncset.done $0x0  }
0xa5: {  	s25 =	simm.s32 $0x1B8E;
	s24 =	sld [smem:$0x3FFE];
	[sflag:s23] =	ssyncadd.s32 $0xFFFFFFFF  }
0xa6: {  	s26 =	simm.s32 $execute0_lowered;
	[smem:$0x3FD2] =	sst s25  }
0xa7: {  	s6 =	sshll.u32 s26, $0x1;
	_ =	strace $0x80000046;
	[dreg:$0x1] =	wrdreg $0xFFFFFFFF  }
0xa8: {  	s28 =	simm.s32 $_size_execute0_lowered;
	s4 =	sadd.s32 s4, s6;
	[dreg:$0x0] =	wrdreg $0x0  }
0xa9: {  	s6 =	sshll.u32 s28, $0x1;
	[dreg:$0x2] =	wrdreg s4  }
0xaa: {  	[dreg:$0x3] =	wrdreg s6  }
0xab: {  	[dreg:$0x4] =	wrdreg $0xC0  }
0xac: {  	_ =	task [dreg:s8], $0x5FFFF  }
0xad: {  	[dreg:$0x1] =	wrdreg $0xFFFFFFFF  }
0xae: {  	[dreg:$0x0] =	wrdreg $0x60  }
0xaf: {  	[dreg:$0x2] =	wrdreg s2  }
0xb0: {  	[dreg:$0x3] =	wrdreg s18  }
0xb1: {  	[dreg:$0x4] =	wrdreg s24  }
0xb2: {  	[dreg:$0x5] =	wrdreg $0x0  }
0xb3: {  	[dreg:$0x6] =	wrdreg $0x9  }
0xb4: {  	_ =	task.clear_ibuf [dreg:s8], $0x7FFFF;
	_ =	strace $0x90000046  }
0xb5: {  	s29 =	simm.s32 $0x9;
	_ =	strace $0x80000048  }
0xb6: {  	_ =	swait.ge [sflag:s29], $0x1  }
0xb7: {  	[sflag:s29] =	ssyncadd.s32 $0xFFFFFFFF  }
0xb8: {  	_ =	strace $0x90000048  }
0xb9: {  	_ =	sfence  }
0xba: {  	s30 =	sld [smem:$0x0];
	_ =	sdelay $0x2  }
0xbb: {  	s31 =	sshll.u32 s1, $0xD;
	s1 =	sshrl.u32 s1, $0x2  }
0xbc: {  	s3 =	sand.u32 $0x4000, s31;
	s1 =	sadd.s32 s1, s30  }
0xbd: {  	s0 =	sor.u32 s3, s0;
	s1 =	sshll.u32 s1, $0x11  }
0xbe: {  	s0 =	sor.u32 s1, s0  }
0xbf: {  	s0 =	sadd.s32 $0x8F2B, s0  }
0xc0: {  	[sflag:s0] =	ssyncadd.remote.s32 $0x1  }
0xc1: {  	_ =	sfence.sel $0xFFFF  }
0xc2: {  	[dreg:$0x0] =	wrdreg $0xFFFFFFFF;
	(pc) =	sbr.abs _section_cstart, $3  }
0xc3: {  	[dreg:$0x1] =	wrdreg $0xFFFFFFFF  }
0xc4: {  	_ =	task.clear_ibuf [dreg:s8], $0x2FFFF;
	_ =	strace $0x9FFFFFFF  }
0xc5: {  	(tm) =	ssettm $0x7FFFFFFF  }
tec
execute0_lowered:
.L_overlay_start_1:
0x0: {  	(tag) =	ssettag $0x1  }
0x1: {  	s1 =	rddreg [dreg:$0x0]  }
0x2: {  	s5 =	rddreg [dreg:$0x1]  }
0x3: {  	s0 =	srdreg.scid;
	s6 =	rddreg [dreg:$0x2]  }
0x4: {  	s12 =	stileid.u32;
	s3 =	rddreg [dreg:$0x3];
	s14 =	simm.s32 $0xB  }
0x5: {  	s28 =	simm.s32 $0x18F00;
	s29 =	simm.s32 $0x1B700;
	s30 =	simm.s32 $0x1  }
0x6: {  	s31 =	simm.s32 $0x2;
	s15 =	simm.s32 $0x6;
	s8 =	smul.u32 $0xA000, s12  }
0x7: {  	s0 =	sand.u32 $0x1, s0;
	s4 =	sshll.u32 s12, $0x7;
	s10 =	smul.u32 $0x2800, s12  }
0x8: {  	s11 =	sadd.s32 $0xC200, s6;
	s21 =	smul.u32 $0x28000, s12;
	s26 =	sshll.u32 s12, $0x6  }
0x9: {  	s2 =	sshll.u32 s0, $0x4;
	s7 =	sand.u32 $0x380, s4;
	s4 =	simm.s32 $0x0  }
0xa: {  	s18 =	smul.u32 $0xA0000, s0;
	s19 =	sshll.u32 s0, $0x7;
	s0 =	ssub.s32 $0x2, s0  }
0xb: {  	s16 =	sor.u32 $0x1C0B, s26;
	s26 =	simm.s32 $0x8;
	s2 =	sor.u32 s12, s2  }
0xc: {  	[smem:$0x7FF] =	sst s4;
	s20 =	sshrl.u32 s0, $0x1;
	s23 =	sshrl.u32 s21, $0x2  }
0xd: {  	s2 =	sshrl.u32 s2, $0x3;
	_ =	strace $0x80000047;
	s0 =	ssub.s32 s0, s20  }
0xe: {  	[dreg:$0x5] =	wrdreg s11;
	s2 =	smul.u32 $0x13C00, s2;
	s0 =	smax.u32 s0, $0x1  }
0xf: {  	s21 =	simm.s32 $0x11700;
	s20 =	simm.s32 $0x5;
	[dreg:$0xa] =	wrdreg s0  }
0x10: {  	s0 =	simm.s32 $0x4;
	s2 =	sor.u32 s7, s2;
	s7 =	sadd.s32 s8, s18  }
0x11: {  	s8 =	sor.u32 s19, s10;
	s18 =	simm.s32 $0x50;
	s19 =	simm.s32 $0xEF00  }
0x12: {  	s2 =	sshrl.u32 s2, $0x3;
	s7 =	sshrl.u32 s7, $0x3;
	s8 =	sshrl.u32 s8, $0x3  }
0x13: {  	s9 =	sadd.s32 s2, s6;
	s7 =	sadd.s32 s7, s6;
	s2 =	sadd.s32 s5, s2  }
0x14: {  	s6 =	sadd.s32 s8, s6;
	s5 =	simm.s32 $0xA;
	[dreg:$0x6] =	wrdreg s2  }
0x15: {  	s22 =	sadd.s32 $0x2400, s9;
	s2 =	sadd.s32 s23, s3;
	s24 =	sadd.s32 $0x13A00, s7  }
0x16: {  	s25 =	sadd.s32 $0xEA00, s6;
	s7 =	simm.s32 $0x80;
	[dreg:$0x7] =	wrdreg s22  }
0x17: {  	s9 =	simm.s32 $0xA000;
	s23 =	simm.s32 $0x13F00;
	[dreg:$0x8] =	wrdreg s24  }
0x18: {  	[dreg:$0x9] =	wrdreg s25;
	s17 =	sshrl.u32 s2, $0x3;
	s25 =	simm.s32 $0x16700  }
0x19: {  	v0 =	vimm.f32 $0.0e+00;
	v1 =	vimm.f32 $1.000000000e+00;
	s2 =	simm.s32 $0x3;
	s22 =	simm.s32 $0x7;
	s24 =	simm.s32 $0x9  }
.LBB2_1:
0x1a: {  	s6 =	rddreg [dreg:$0x6];
	s8 =	simm.s32 $0x400  }
0x1b: {  	[tilespmem:s9], [sflag:$0xB] =	stream.strided.gather [hbm4b:s6+s7], $0x2780, s8, s7, $0x38;
	[tilespmem:$0x1CB00] =	vst v63  }
0x1c: {  	_ =	swait.ge [sflag:s14], $0x2780  }
0x1d: {  	[sflag:s14] =	ssyncset.done $0x0  }
0x1e: {  	s10 =	simm.s32 $0xC780;
	s12 =	rddreg [dreg:$0x7];
	[sflag:s14] =	ssyncadd.s32 $0xFFFFD880  }
0x1f: {  	[tilespmem:s10], [sflag:$0xB] =	stream.strided.gather [hbm4b:s12+s7], $0x2780, s8, s7, $0x38;
	[tilespmem:$0x1CB00] =	vst v63  }
0x20: {  	_ =	swait.ge [sflag:s14], $0x2780  }
0x21: {  	[sflag:s14] =	ssyncset.done $0x0  }
0x22: {  	s13 =	rddreg [dreg:$0x5];
	[sflag:s14] =	ssyncadd.s32 $0xFFFFD880  }
0x23: {  	[spmem:s17], [sflag:s16] =	dma.local [hbm:s13], $0x1400  }
0x24: {  	_ =	swait.ge [sflag:s14], $0x1400  }
0x25: {  	[sflag:s14] =	ssyncset.done $0x0  }
0x26: {  	s6 =	simm.s32 $0x40;
	s7 =	simm.s32 $0x0;
	[sflag:s14] =	ssyncadd.s32 $0xFFFFEC00  }
.LBB2_2:
0x27: {  	p0 =	sne.s32 s6, $0x4FC0;
	[tilespmem:s7+$0x1B700] =	vst v0;
	s7 =	smov.u32 s6;
	s6 =	sadd.s32 $0x40, s6  }
.Ltmp0:
0x28: {  	(pc) =	sbr.rel @p0 .LBB2_2-.Ltmp0, $2  }
0x29: {  	_ =	sdelay $0x2  }
0x2a: {  	s7 =	sshra.s32 s7, $0x2  }
0x2b: {  	[tilespmem:s7+$0x1B700] =	vst v0  }
0x2c: {  	[bflag:$0x0] =	sbarrier.arrive $0xFFFF  }
0x2d: {  	[tilespmem:s19], [sflag:$0x1] =	stream.indirect.gather [hbm4b:s1+s18], $0x80, s9, s18, $0xb8;
	[tilespmem:$0x1CB00] =	vst v63  }
0x2e: {  	s6 =	simm.s32 $0xA050  }
0x2f: {  	[tilespmem:s21], [sflag:$0x2] =	stream.indirect.gather [hbm4b:s1+s18], $0x80, s6, s18, $0xb8;
	[tilespmem:$0x1CB00] =	vst v63  }
0x30: {  	s11 =	simm.s32 $0xA0A0  }
0x31: {  	[tilespmem:s23], [sflag:$0x3] =	stream.indirect.gather [hbm4b:s1+s18], $0x80, s11, s18, $0xb8;
	[tilespmem:$0x1CB00] =	vst v63  }
0x32: {  	s12 =	simm.s32 $0xA0F0  }
0x33: {  	[tilespmem:s25], [sflag:$0x4] =	stream.indirect.gather [hbm4b:s1+s18], $0x80, s12, s18, $0xb8;
	[tilespmem:$0x1CB00] =	vst v63  }
0x34: {  	s13 =	simm.s32 $0xA140;
	s6 =	simm.s32 $0x0  }
0x35: {  	[tilespmem:s28], [sflag:$0x5] =	stream.indirect.gather [hbm4b:s1+s18], $0x80, s13, s18, $0xb8;
	[tilespmem:$0x1CB00] =	vst v63  }
.LBB2_4:
0x36: {  	s7 =	sshra.s32 s6, $0x2  }
0x37: {  	v2 =	vld [tilespmem:s7+$0xC780];
	_ =	sdelay $0x2  }
0x38: {  	p0 =	sne.s32 s6, $0x9C00  }
.Ltmp1:
0x39: {  	_ = 	snop;
	(pc) =	sbr.rel @p0 .LBB2_4-.Ltmp1, $2  }
0x3a: {  	_ =	sdelay $0x2  }
0x3b: {  	s6 =	sadd.s32 $0x40, s6;
	[tilespmem:v2+s29+$0x0] =	vst.idx.add.f32.msk $0xffff, v1  }
0x3c: {  	_ =	swait.ge [sflag:s30], $0x2800  }
0x3d: {  	p0 =	por $0x1, $0x1;
	[sflag:s30] =	ssyncset.done $0x0  }
0x3e: {  	s6 =	simm.s32 $0xC780;
	s7 =	simm.s32 @!p0 $0x8;
	[sflag:s30] =	ssyncadd.s32 $0xFFFFD800  }
0x3f: {  	[spmem:s3] =	stream.indirect.scatter.add.f32 [tilespmem:s19], [sflag:$0x6], $0x80, s6, s18, $0xb8;
	[tilespmem:$0x1CB00] =	vst v63  }
0x40: {  	_ =	swait.ge @!p0 [sflag:s7], $0x2800  }
0x41: {  	s12 =	simm.s32 @!p0 $0x50;
	[sflag:s7] =	ssyncset.done @!p0 $0x0  }
0x42: {  	s13 =	simm.s32 @!p0 $0x13F00;
	s6 =	simm.s32 @!p0 $0xA0A0;
	[sflag:s7] =	ssyncadd.s32 @!p0 $0xFFFFD800  }
0x43: {  	[tilespmem:s13], [sflag:$0x3] =	stream.indirect.gather @!p0 [hbm4b:s1+s12], $0x80, s6, s12, $0xb8;
	[tilespmem:$0x1CB00] =	vst v63  }
0x44: {  	_ =	swait.ge [sflag:s31], $0x2800  }
0x45: {  	p0 =	por $0x1, $0x1;
	[sflag:s31] =	ssyncset.done $0x0  }
0x46: {  	s9 =	simm.s32 $0xC7D0;
	s7 =	simm.s32 @!p0 $0x9;
	[sflag:s31] =	ssyncadd.s32 $0xFFFFD800  }
0x47: {  	[spmem:s3] =	stream.indirect.scatter.add.f32 [tilespmem:s21], [sflag:$0x7], $0x80, s9, s18, $0xb8;
	[tilespmem:$0x1CB00] =	vst v63  }
0x48: {  	_ =	swait.ge @!p0 [sflag:s7], $0x2800  }
0x49: {  	s6 =	simm.s32 @!p0 $0xA0F0;
	[sflag:s7] =	ssyncset.done @!p0 $0x0  }
0x4a: {  	s12 =	simm.s32 @!p0 $0x50;
	s13 =	simm.s32 @!p0 $0x16700;
	[sflag:s7] =	ssyncadd.s32 @!p0 $0xFFFFD800  }
0x4b: {  	[tilespmem:s13], [sflag:$0x4] =	stream.indirect.gather @!p0 [hbm4b:s1+s12], $0x80, s6, s12, $0xb8;
	[tilespmem:$0x1CB00] =	vst v63  }
0x4c: {  	_ =	swait.ge [sflag:s2], $0x2800  }
0x4d: {  	p0 =	por $0x1, $0x1;
	[sflag:s2] =	ssyncset.done $0x0  }
0x4e: {  	s10 =	simm.s32 $0xC820;
	s7 =	simm.s32 @!p0 $0xA;
	[sflag:s2] =	ssyncadd.s32 $0xFFFFD800  }
0x4f: {  	[spmem:s3] =	stream.indirect.scatter.add.f32 [tilespmem:s23], [sflag:$0x8], $0x80, s10, s18, $0xb8;
	[tilespmem:$0x1CB00] =	vst v63  }
0x50: {  	_ =	swait.ge @!p0 [sflag:s7], $0x2800  }
0x51: {  	s6 =	simm.s32 @!p0 $0xA140;
	[sflag:s7] =	ssyncset.done @!p0 $0x0  }
0x52: {  	s12 =	simm.s32 @!p0 $0x50;
	s13 =	simm.s32 @!p0 $0x18F00;
	[sflag:s7] =	ssyncadd.s32 @!p0 $0xFFFFD800  }
0x53: {  	[tilespmem:s13], [sflag:$0x5] =	stream.indirect.gather @!p0 [hbm4b:s1+s12], $0x80, s6, s12, $0xb8;
	[tilespmem:$0x1CB00] =	vst v63  }
0x54: {  	_ =	swait.ge [sflag:s0], $0x2800  }
0x55: {  	[sflag:s0] =	ssyncset.done $0x0  }
0x56: {  	s11 =	simm.s32 $0xC870;
	[sflag:s0] =	ssyncadd.s32 $0xFFFFD800  }
0x57: {  	[spmem:s3] =	stream.indirect.scatter.add.f32 [tilespmem:s25], [sflag:$0x9], $0x80, s11, s18, $0xb8;
	[tilespmem:$0x1CB00] =	vst v63  }
0x58: {  	_ =	swait.ge [sflag:s15], $0x2800  }
0x59: {  	[sflag:s15] =	ssyncset.done $0x0  }
0x5a: {  	s12 =	simm.s32 $0xA190;
	[sflag:s15] =	ssyncadd.s32 $0xFFFFD800  }
0x5b: {  	[tilespmem:s19], [sflag:$0x1] =	stream.indirect.gather [hbm4b:s1+s18], $0x80, s12, s18, $0xb8;
	[tilespmem:$0x1CB00] =	vst v63  }
0x5c: {  	_ =	swait.ge [sflag:s20], $0x2800  }
0x5d: {  	[sflag:s20] =	ssyncset.done $0x0  }
0x5e: {  	s13 =	simm.s32 $0xC8C0;
	[sflag:s20] =	ssyncadd.s32 $0xFFFFD800  }
0x5f: {  	[spmem:s3] =	stream.indirect.scatter.add.f32 [tilespmem:s28], [sflag:$0xA], $0x80, s13, s18, $0xb8;
	[tilespmem:$0x1CB00] =	vst v63  }
0x60: {  	s7 =	simm.s32 $0x640;
	_ =	swait.ge [sflag:s22], $0x2800  }
0x61: {  	s6 =	simm.s32 $0xFFFFFFFD;
	s12 =	simm.s32 $0xA1E0;
	[sflag:s22] =	ssyncset.done $0x0  }
.LBB2_6:
0x62: {  	[sflag:s22] =	ssyncadd.s32 $0xFFFFD800  }
0x63: {  	s6 =	sadd.s32 $0x5, s6;
	s13 =	smov.u32 s7;
	s7 =	sadd.s32 $0x640, s7  }
0x64: {  	[tilespmem:s21], [sflag:$0x2] =	stream.indirect.gather [hbm4b:s1+s18], $0x80, s12, s18, $0xb8;
	[tilespmem:$0x1CB00] =	vst v63  }
0x65: {  	s12 =	sshra.s32 s13, $0x2;
	p0 =	sne.s32 s7, $0x9600;
	_ =	swait.ge [sflag:s30], $0x2800  }
0x66: {  	p1 =	sgt.u32 s6, $0x77;
	s8 =	sadd.s32 $0xC780, s12;
	[sflag:s30] =	ssyncset.done $0x0  }
0x67: {  	s9 =	simm.s32 @!p1 $0x8;
	s10 =	sshra.s32 @!p1 s13, $0x2;
	[sflag:s30] =	ssyncadd.s32 $0xFFFFD800  }
0x68: {  	[spmem:s3] =	stream.indirect.scatter.add.f32 [tilespmem:s19], [sflag:$0x6], $0x80, s8, s18, $0xb8;
	[tilespmem:$0x1CB00] =	vst v63  }
0x69: {  	s8 =	sadd.s32 @!p1 $0xA0A0, s10;
	_ =	swait.ge @!p1 [sflag:s9], $0x2800  }
0x6a: {  	s11 =	simm.s32 @!p1 $0x13F00;
	s10 =	simm.s32 @!p1 $0x50;
	[sflag:s9] =	ssyncset.done @!p1 $0x0  }
0x6b: {  	[sflag:s9] =	ssyncadd.s32 @!p1 $0xFFFFD800  }
0x6c: {  	[tilespmem:s11], [sflag:$0x3] =	stream.indirect.gather @!p1 [hbm4b:s1+s10], $0x80, s8, s10, $0xb8;
	[tilespmem:$0x1CB00] =	vst v63  }
0x6d: {  	s8 =	sadd.s32 $0x1, s6;
	_ =	swait.ge [sflag:s31], $0x2800  }
0x6e: {  	s9 =	sadd.s32 $0xC7D0, s12;
	p1 =	sgt.u32 s8, $0x77;
	[sflag:s31] =	ssyncset.done $0x0  }
0x6f: {  	s8 =	simm.s32 @!p1 $0x9;
	s10 =	sshra.s32 @!p1 s13, $0x2;
	[sflag:s31] =	ssyncadd.s32 $0xFFFFD800  }
0x70: {  	[spmem:s3] =	stream.indirect.scatter.add.f32 [tilespmem:s21], [sflag:$0x7], $0x80, s9, s18, $0xb8;
	[tilespmem:$0x1CB00] =	vst v63  }
0x71: {  	s9 =	sadd.s32 @!p1 $0xA0F0, s10;
	_ =	swait.ge @!p1 [sflag:s8], $0x2800  }
0x72: {  	s11 =	simm.s32 @!p1 $0x16700;
	s10 =	simm.s32 @!p1 $0x50;
	[sflag:s8] =	ssyncset.done @!p1 $0x0  }
0x73: {  	[sflag:s8] =	ssyncadd.s32 @!p1 $0xFFFFD800  }
0x74: {  	[tilespmem:s11], [sflag:$0x4] =	stream.indirect.gather @!p1 [hbm4b:s1+s10], $0x80, s9, s10, $0xb8;
	[tilespmem:$0x1CB00] =	vst v63  }
0x75: {  	s8 =	sadd.s32 $0x2, s6;
	_ =	swait.ge [sflag:s2], $0x2800  }
0x76: {  	s9 =	sadd.s32 $0xC820, s12;
	p1 =	sgt.u32 s8, $0x77;
	[sflag:s2] =	ssyncset.done $0x0  }
0x77: {  	s8 =	simm.s32 @!p1 $0xA;
	s10 =	sshra.s32 @!p1 s13, $0x2;
	[sflag:s2] =	ssyncadd.s32 $0xFFFFD800  }
0x78: {  	[spmem:s3] =	stream.indirect.scatter.add.f32 [tilespmem:s23], [sflag:$0x8], $0x80, s9, s18, $0xb8;
	[tilespmem:$0x1CB00] =	vst v63  }
0x79: {  	s9 =	sadd.s32 @!p1 $0xA140, s10;
	_ =	swait.ge @!p1 [sflag:s8], $0x2800  }
0x7a: {  	s11 =	simm.s32 @!p1 $0x18F00;
	s10 =	simm.s32 @!p1 $0x50;
	[sflag:s8] =	ssyncset.done @!p1 $0x0  }
0x7b: {  	[sflag:s8] =	ssyncadd.s32 @!p1 $0xFFFFD800  }
0x7c: {  	[tilespmem:s11], [sflag:$0x5] =	stream.indirect.gather @!p1 [hbm4b:s1+s10], $0x80, s9, s10, $0xb8;
	[tilespmem:$0x1CB00] =	vst v63  }
0x7d: {  	_ =	swait.ge [sflag:s0], $0x2800  }
0x7e: {  	s8 =	sadd.s32 $0xC870, s12;
	[sflag:s0] =	ssyncset.done $0x0  }
0x7f: {  	[sflag:s0] =	ssyncadd.s32 $0xFFFFD800  }
0x80: {  	[spmem:s3] =	stream.indirect.scatter.add.f32 [tilespmem:s25], [sflag:$0x9], $0x80, s8, s18, $0xb8;
	[tilespmem:$0x1CB00] =	vst v63  }
0x81: {  	_ =	swait.ge [sflag:s15], $0x2800  }
0x82: {  	s8 =	sadd.s32 $0xA190, s12;
	[sflag:s15] =	ssyncset.done $0x0  }
0x83: {  	[sflag:s15] =	ssyncadd.s32 $0xFFFFD800  }
0x84: {  	[tilespmem:s19], [sflag:$0x1] =	stream.indirect.gather [hbm4b:s1+s18], $0x80, s8, s18, $0xb8;
	[tilespmem:$0x1CB00] =	vst v63  }
0x85: {  	_ =	swait.ge [sflag:s20], $0x2800  }
.Ltmp2:
0x86: {  	s8 =	sadd.s32 $0xC8C0, s12;
	[sflag:s20] =	ssyncset.done $0x0;
	(pc) =	sbr.rel @p0 .LBB2_6-.Ltmp2, $4  }
0x87: {  	[sflag:s20] =	ssyncadd.s32 $0xFFFFD800  }
0x88: {  	[spmem:s3] =	stream.indirect.scatter.add.f32 [tilespmem:s28], [sflag:$0xA], $0x80, s8, s18, $0xb8;
	[tilespmem:$0x1CB00] =	vst v63  }
0x89: {  	_ =	swait.ge [sflag:s22], $0x2800  }
0x8a: {  	s12 =	sadd.s32 $0xA1E0, s12;
	[sflag:s22] =	ssyncset.done $0x0  }
0x8b: {  	[sflag:s22] =	ssyncadd.s32 $0xFFFFD800  }
0x8c: {  	[tilespmem:s21], [sflag:$0x2] =	stream.indirect.gather [hbm4b:s1+s18], $0x80, s12, s18, $0xb8;
	[tilespmem:$0x1CB00] =	vst v63  }
0x8d: {  	_ =	swait.ge [sflag:s30], $0x2800  }
0x8e: {  	[sflag:s30] =	ssyncset.done $0x0  }
0x8f: {  	s6 =	simm.s32 $0xED00;
	[sflag:s30] =	ssyncadd.s32 $0xFFFFD800  }
0x90: {  	[spmem:s3] =	stream.indirect.scatter.add.f32 [tilespmem:s19], [sflag:$0x6], $0x80, s6, s18, $0xb8;
	[tilespmem:$0x1CB00] =	vst v63  }
0x91: {  	_ =	swait.ge [sflag:s26], $0x2800  }
0x92: {  	[sflag:s26] =	ssyncset.done $0x0  }
0x93: {  	s11 =	simm.s32 $0xC620;
	[sflag:s26] =	ssyncadd.s32 $0xFFFFD800  }
0x94: {  	[tilespmem:s23], [sflag:$0x3] =	stream.indirect.gather [hbm4b:s1+s18], $0x80, s11, s18, $0xb8;
	[tilespmem:$0x1CB00] =	vst v63  }
0x95: {  	_ =	swait.ge [sflag:s31], $0x2800  }
0x96: {  	[sflag:s31] =	ssyncset.done $0x0  }
0x97: {  	s12 =	simm.s32 $0xED50;
	[sflag:s31] =	ssyncadd.s32 $0xFFFFD800  }
0x98: {  	[spmem:s3] =	stream.indirect.scatter.add.f32 [tilespmem:s21], [sflag:$0x7], $0x80, s12, s18, $0xb8;
	[tilespmem:$0x1CB00] =	vst v63  }
0x99: {  	_ =	swait.ge [sflag:s24], $0x2800  }
0x9a: {  	[sflag:s24] =	ssyncset.done $0x0  }
0x9b: {  	s13 =	simm.s32 $0xC670;
	[sflag:s24] =	ssyncadd.s32 $0xFFFFD800  }
0x9c: {  	[tilespmem:s25], [sflag:$0x4] =	stream.indirect.gather [hbm4b:s1+s18], $0x80, s13, s18, $0xb8;
	[tilespmem:$0x1CB00] =	vst v63  }
0x9d: {  	_ =	swait.ge [sflag:s2], $0x2800  }
0x9e: {  	[sflag:s2] =	ssyncset.done $0x0  }
0x9f: {  	s7 =	simm.s32 $0xEDA0;
	[sflag:s2] =	ssyncadd.s32 $0xFFFFD800  }
0xa0: {  	[spmem:s3] =	stream.indirect.scatter.add.f32 [tilespmem:s23], [sflag:$0x8], $0x80, s7, s18, $0xb8;
	[tilespmem:$0x1CB00] =	vst v63  }
0xa1: {  	_ =	swait.ge [sflag:s5], $0x2800  }
0xa2: {  	[sflag:s5] =	ssyncset.done $0x0  }
0xa3: {  	s8 =	simm.s32 $0xC6C0;
	[sflag:s5] =	ssyncadd.s32 $0xFFFFD800  }
0xa4: {  	[tilespmem:s28], [sflag:$0x5] =	stream.indirect.gather [hbm4b:s1+s18], $0x80, s8, s18, $0xb8;
	[tilespmem:$0x1CB00] =	vst v63  }
0xa5: {  	_ =	swait.ge [sflag:s0], $0x2800  }
0xa6: {  	[sflag:s0] =	ssyncset.done $0x0  }
0xa7: {  	s9 =	simm.s32 $0xEDF0;
	[sflag:s0] =	ssyncadd.s32 $0xFFFFD800  }
0xa8: {  	[spmem:s3] =	stream.indirect.scatter.add.f32 [tilespmem:s25], [sflag:$0x9], $0x80, s9, s18, $0xb8;
	[tilespmem:$0x1CB00] =	vst v63  }
0xa9: {  	_ =	swait.ge [sflag:s20], $0x2800  }
0xaa: {  	[sflag:s20] =	ssyncset.done $0x0  }
0xab: {  	s10 =	simm.s32 $0xEE40;
	[sflag:s20] =	ssyncadd.s32 $0xFFFFD800  }
0xac: {  	[spmem:s3] =	stream.indirect.scatter.add.f32 [tilespmem:s28], [sflag:$0xA], $0x80, s10, s18, $0xb8;
	[tilespmem:$0x1CB00] =	vst v63  }
0xad: {  	_ =	swait.ge [sflag:s15], $0x2800  }
0xae: {  	[sflag:s15] =	ssyncset.done $0x0  }
0xaf: {  	[sflag:s15] =	ssyncadd.s32 $0xFFFFD800  }
0xb0: {  	_ =	swait.ge [sflag:s22], $0x2800  }
0xb1: {  	[sflag:s22] =	ssyncset.done $0x0  }
0xb2: {  	[sflag:s22] =	ssyncadd.s32 $0xFFFFD800  }
0xb3: {  	_ =	swait.ge [sflag:s26], $0x2800  }
0xb4: {  	[sflag:s26] =	ssyncset.done $0x0  }
0xb5: {  	[sflag:s26] =	ssyncadd.s32 $0xFFFFD800  }
0xb6: {  	_ =	swait.ge [sflag:s24], $0x2800  }
0xb7: {  	[sflag:s24] =	ssyncset.done $0x0  }
0xb8: {  	[sflag:s24] =	ssyncadd.s32 $0xFFFFD800  }
0xb9: {  	_ =	swait.ge [sflag:s5], $0x2800  }
0xba: {  	[sflag:s5] =	ssyncset.done $0x0  }
0xbb: {  	[sflag:s5] =	ssyncadd.s32 $0xFFFFD800  }
0xbc: {  	[bflag:$0x0] =	sbarrier.arrive $0xFFFF  }
0xbd: {  	s11 =	rddreg [dreg:$0x8]  }
0xbe: {  	[hbm:s11], [sflag:s16] =	dma.local [spmem:s17], $0x1400  }
0xbf: {  	_ =	swait.ge [sflag:s14], $0x1400  }
0xc0: {  	s7 =	simm.s32 $0x80;
	[sflag:s14] =	ssyncset.done $0x0  }
0xc1: {  	s8 =	simm.s32 $0x100;
	s12 =	rddreg [dreg:$0x9];
	[sflag:s14] =	ssyncadd.s32 $0xFFFFEC00  }
0xc2: {  	[hbm4b:s12+s7] =	stream.strided.scatter [tilespmem:s29], [sflag:$0xB], $0x1400, s8, s7, $0x38;
	[tilespmem:$0x1CB00] =	vst v63  }
0xc3: {  	_ =	swait.ge [sflag:s14], $0x1400  }
0xc4: {  	s4 =	sadd.s32 $0x1, s4;
	s13 =	rddreg [dreg:$0xa]  }
0xc5: {  	p0 =	sne.s32 s4, s13  }
.Ltmp3:
0xc6: {  	_ = 	snop;
	(pc) =	sbr.rel @p0 .LBB2_1-.Ltmp3, $3  }
0xc7: {  	_ =	sdelay $0x1  }
0xc8: {  	[sflag:s14] =	ssyncset.done $0x0  }
0xc9: {  	s9 =	simm.s32 $0xA000;
	[sflag:s14] =	ssyncadd.s32 $0xFFFFEC00  }
0xca: {  	_ =	sfence.sel $0x180000  }
0xcb: {  	[bflag:$0x0] =	sbarrier.arrive $0xFFFF  }
0xcc: {  	_ =	strace $0x90000047  }
0xcd: {  	s0 =	stileid.u32;
	[bflag:$0x2] =	sbarrier.arrive $0xFFFF  }
0xce: {  	p0 =	sne.s32 s0, $0x0;
	s0 =	rddreg [dreg:$0x4]  }
0xcf: {  	s0 =	sadd.s32 @!p0 $0x100000, s0  }
0xd0: {  	[sflag:s0] =	ssyncadd.tile.s32 @!p0 $0x1;
	_ =	shalt  }
.Lfunc_end2:
_tile_overlayer_lowered:
.L_overlay_start_2:
0xd1: {  	(tag) =	ssettag $0x2  }
0xd2: {  	s0 =	rddreg [dreg:$0x0];
	s2 =	stileid.u32  }
0xd3: {  	s1 =	rddreg [dreg:$0x1];
	p0 =	sne.s32 s2, $0x0  }
0xd4: {  	s3 =	rddreg [dreg:$0x2];
	[bflag:$0x3] =	sbarrier.arrive $0xFFFF;
	s2 =	simm.s32 @!p0 $0x1C0B  }
0xd5: {  	[timem:s3], [sflag:s2] =	dma.local @!p0 [hbm:s0], s1  }
0xd6: {  	s0 =	simm.s32 @!p0 $0xB  }
0xd7: {  	_ =	swait.ge @!p0 [sflag:s0], s1  }
0xd8: {  	s1 =	ssub.s32 @!p0 $0x0, s1;
	[sflag:s0] =	ssyncset.done @!p0 $0x0  }
0xd9: {  	[sflag:s0] =	ssyncadd.s32 @!p0 s1  }
0xda: {  	[bflag:$0x3] =	sbarrier.arrive $0xFFFF  }
0xdb: {  	_ =	shalt  }

// kernel: kernel.9.cloned.1.call-start
scs
__scs_entry_jumppad:
0x0: {  	(pc) =	sbr.rel $0x88, $3  }
0x1: {  	(tag) =	ssettag $0x0;
	lr =	simm.s32 $0x1  }
0x2: {  	[smem:$0x3F98] =	sst lr;
	_ =	strace $0xD0000000  }
0x3: {  	_ = 	snop  }
0x4: {  	_ = 	snop  }
0x5: {  	_ = 	snop  }
0x6: {  	_ = 	snop  }
0x7: {  	_ = 	snop  }
__scs_overlays_trampoline_lowered:
0x8: {  	[smem:$0x3FA7] =	sst s0  }
0x9: {  	[smem:$0x3FA8] =	sst s1  }
0xa: {  	[smem:$0x3FA9] =	sst s2  }
0xb: {  	[smem:$0x3FAA] =	sst s3  }
0xc: {  	[smem:$0x3FAB] =	sst s4  }
0xd: {  	[smem:$0x3FAC] =	sst s5  }
0xe: {  	[smem:$0x3FAD] =	sst s6  }
0xf: {  	[smem:$0x3FAE] =	sst s7  }
0x10: {  	[smem:$0x3FAF] =	sst s8  }
0x11: {  	[smem:$0x3FB0] =	sst s9;
	s0 =	simm.s32 @!p0 $0x0  }
0x12: {  	s1 =	sld [smem:$0x3F96];
	s0 =	simm.s32 @p0 $0x1  }
0x13: {  	[smem:$0x3FB1] =	sst s0;
	s0 =	simm.s32 @!p1 $0x0  }
0x14: {  	s2 =	sld [smem:$0x3F95];
	s0 =	simm.s32 @p1 $0x1  }
0x15: {  	[smem:$0x3FB2] =	sst s0;
	s0 =	simm.s32 @!p2 $0x0  }
0x16: {  	s3 =	sld [smem:$0x3FDB];
	s0 =	simm.s32 @p2 $0x1  }
0x17: {  	s4 =	simm.s32 $0x1BF5;
	[smem:$0x3FB4] =	sst s0  }
0x18: {  	s0 =	sld [smem:$0x3F97];
	_ =	swait.ge [sflag:s4], $0x0  }
0x19: {  	s7 =	sld [smem:$0x3F98]  }
0x1a: {  	s8 =	sadd.s32 $0xFFFFE003, lr  }
0x1b: {  	s9 =	sadd.s32 $0xFFFFFEF7, lr;
	s5 =	simm.s32 $0xFFFFFFFF;
	p2 =	slt.u32 s8, $0xFFFFF086  }
0x1c: {  	p1 =	slt.u32 s9, $0xF7A;
	s5 =	simm.s32 @!p2 $0x0  }
0x1d: {  	s5 =	simm.s32 @p1 $0x1;
	p0 =	seq.s32 s7, s2  }
0x1e: {  	s7 =	smul.u32 @!p0 $0xF7A, s2;
	p2 =	seq.s32 @!p0 s5, $0x0  }
0x1f: {  	s9 =	smul.u32 $0xF7A, s1;
	s8 =	simm.s32 @!p0 $0x1BF5;
	p2 =	por !p2, p0  }
0x20: {  	[sflag:s8] =	ssyncset.s32 @!p0 $0xFFFFF086;
	s6 =	sadd.s32 @!p0 s3, s7;
	s7 =	simm.s32 @!p0 $0x108  }
0x21: {  	s3 =	sadd.s32 s3, s9;
	s6 =	sadd.s32 @!p0 $0x88, s6;
	s7 =	simm.s32 @p2 $0x1082  }
0x22: {  	[simem:s7], [sflag:s8] =	dma.local @!p0 [hbm:s6], $0xF7A  }
0x23: {  	s9 =	sor.u32 $0xD0000000, s2;
	s6 =	simm.s32 $0x108;
	_ =	swait.ge @!p0 [sflag:s8], $0x0  }
0x24: {  	s3 =	sadd.s32 $0x88, s3;
	s6 =	simm.s32 @!p1 $0x1082;
	[sflag:s4] =	ssyncset.s32 $0xFFFFF086  }
0x25: {  	[simem:s6], [sflag:s4] =	dma.local [hbm:s3], $0xF7A  }
0x26: {  	[smem:$0x3F98] =	sst s1;
	(tag) =	ssettag s2;
	_ =	strace s9  }
0x27: {  	s1 =	sld [smem:$0x3FA8]  }
0x28: {  	s2 =	sld [smem:$0x3FA9]  }
0x29: {  	s4 =	sld [smem:$0x3FAB]  }
0x2a: {  	p0 =	seq.s32 s5, $0x0;
	s5 =	sld [smem:$0x3FAC]  }
0x2b: {  	s6 =	sld [smem:$0x3FAD]  }
0x2c: {  	s7 =	sld [smem:$0x3FAE]  }
0x2d: {  	s3 =	simm.s32 $0x108;
	s8 =	sld [smem:$0x3FAF]  }
0x2e: {  	s3 =	simm.s32 @!p0 $0x1082;
	s9 =	sld [smem:$0x3FB0]  }
0x2f: {  	lr =	sadd.s32 s0, s3;
	s0 =	sld [smem:$0x3FA7]  }
0x30: {  	s3 =	sld [smem:$0x3FAA]  }
0x31: {  	[smem:$0x3FB3] =	sst s10  }
0x32: {  	s10 =	sld [smem:$0x3FB1];
	_ =	sdelay $0x3  }
0x33: {  	p0 =	seq.s32 s10, $0x1;
	s10 =	sld [smem:$0x3FB3];
	_ =	sdelay $0x3  }
0x34: {  	[smem:$0x3FB3] =	sst s10  }
0x35: {  	s10 =	sld [smem:$0x3FB2];
	_ =	sdelay $0x3  }
0x36: {  	p1 =	seq.s32 s10, $0x1;
	s10 =	sld [smem:$0x3FB3];
	_ =	sdelay $0x3  }
0x37: {  	[smem:$0x3FB3] =	sst s10  }
0x38: {  	s10 =	sld [smem:$0x3FB4]  }
0x39: {  	_ = 	snop;
	(pc) =	sbr.ind lr, $3  }
0x3a: {  	_ = 	snop  }
0x3b: {  	_ = 	snop  }
0x3c: {  	p2 =	seq.s32 s10, $0x1;
	s10 =	sld [smem:$0x3FB3]  }
0x3d: {  	_ =	shalt  }
0x3e: {  	_ =	shalt  }
0x3f: {  	_ =	shalt  }
0x40: {  	_ =	shalt  }
0x41: {  	_ =	shalt  }
0x42: {  	_ =	shalt  }
0x43: {  	_ =	shalt  }
0x44: {  	_ =	shalt  }
0x45: {  	_ =	shalt  }
0x46: {  	_ =	shalt  }
0x47: {  	_ =	shalt  }
0x48: {  	_ =	shalt  }
0x49: {  	_ =	shalt  }
0x4a: {  	_ =	shalt  }
0x4b: {  	_ =	shalt  }
0x4c: {  	_ =	shalt  }
0x4d: {  	_ =	shalt  }
0x4e: {  	_ =	shalt  }
0x4f: {  	_ =	shalt  }
0x50: {  	_ =	shalt  }
0x51: {  	_ =	shalt  }
0x52: {  	_ =	shalt  }
0x53: {  	_ =	shalt  }
0x54: {  	_ =	shalt  }
0x55: {  	_ =	shalt  }
0x56: {  	_ =	shalt  }
0x57: {  	_ =	shalt  }
0x58: {  	_ =	shalt  }
0x59: {  	_ =	shalt  }
0x5a: {  	_ =	shalt  }
0x5b: {  	_ =	shalt  }
0x5c: {  	_ =	shalt  }
0x5d: {  	_ =	shalt  }
0x5e: {  	_ =	shalt  }
0x5f: {  	_ =	shalt  }
0x60: {  	_ =	shalt  }
0x61: {  	_ =	shalt  }
0x62: {  	_ =	shalt  }
0x63: {  	_ =	shalt  }
0x64: {  	_ =	shalt  }
0x65: {  	_ =	shalt  }
0x66: {  	_ =	shalt  }
0x67: {  	_ =	shalt  }
0x68: {  	_ =	shalt  }
0x69: {  	_ =	shalt  }
0x6a: {  	_ =	shalt  }
0x6b: {  	_ =	shalt  }
0x6c: {  	_ =	shalt  }
0x6d: {  	_ =	shalt  }
0x6e: {  	_ =	shalt  }
0x6f: {  	_ =	shalt  }
0x70: {  	_ =	shalt  }
0x71: {  	_ =	shalt  }
0x72: {  	_ =	shalt  }
0x73: {  	_ =	shalt  }
0x74: {  	_ =	shalt  }
0x75: {  	_ =	shalt  }
0x76: {  	_ =	shalt  }
0x77: {  	_ =	shalt  }
0x78: {  	_ =	shalt  }
0x79: {  	_ =	shalt  }
0x7a: {  	_ =	shalt  }
0x7b: {  	_ =	shalt  }
0x7c: {  	_ =	shalt  }
0x7d: {  	_ =	shalt  }
0x7e: {  	_ =	shalt  }
0x7f: {  	_ =	shalt  }
0x80: {  	_ =	shalt  }
0x81: {  	_ =	shalt  }
0x82: {  	_ =	shalt  }
0x83: {  	_ =	shalt  }
0x84: {  	_ =	shalt  }
0x85: {  	_ =	shalt  }
0x86: {  	_ =	shalt  }
0x87: {  	_ =	shalt  }
.Lfunc_end0:
.L_simem_size_0:
called_computation.1_lowered:
.L_overlay_start_0:
0x88: {  	s2 =	sld [smem:$0x3FD9]  }
0x89: {  	s3 =	sld [smem:$0x3FFE];
	_ =	sdelay $0x1  }
0x8a: {  	s1 =	srdreg.scid  }
0x8b: {  	s0 =	sand.u32 $0x1, s1  }
0x8c: {  	s17 =	sshll.u32 s0, $0xA;
	s2 =	sadd.s32 s3, s2  }
0x8d: {  	s2 =	sadd.s32 s2, s17  }
0x8e: {  	[smem:$0x3FBF] =	sst s2  }
0x8f: {  	_ = 	snop  }
0x90: {  	s2 =	sld [smem:$0x3FD0];
	(tm) =	ssettm $0x1  }
0x91: {  	s18 =	sld [smem:$0x3FFB];
	_ =	sdelay $0x3  }
0x92: {  	_ =	strace s18  }
0x93: {  	s3 =	sld [smem:$0x3FFC];
	_ =	sdelay $0x3  }
0x94: {  	_ =	strace s3  }
0x95: {  	s3 =	sld [smem:$0x3FFD];
	_ =	sdelay $0x3  }
0x96: {  	_ =	strace s3  }
0x97: {  	_ =	strace $0x8FFFFFFF  }
0x98: {  	s19 =	sld [smem:$0x3FDB];
	_ =	sdelay $0x1  }
0x99: {  	s4 =	simm.s32 $_scs_section_size  }
0x9a: {  	s5 =	simm.s32 $_size__tile_overlayer_lowered;
	s6 =	simm.s32 $_tile_overlayer_lowered  }
0x9b: {  	s22 =	simm.s32 $0x1BFF;
	s21 =	sshll.u32 s6, $0x1;
	s3 =	sadd.s32 s4, s19  }
0x9c: {  	s7 =	simm.s32 $0x0;
	s20 =	sshll.u32 s5, $0x1;
	s5 =	sadd.s32 s21, s3  }
0x9d: {  	[timem:s7], [sflag:s22] =	dma.local [hbm:s5], s20  }
0x9e: {  	_ =	swait.ge [sflag:s22], s20  }
0x9f: {  	s4 =	ssub.s32 $0x0, s20;
	[sflag:s22] =	ssyncset.done $0x0  }
0xa0: {  	[sflag:s22] =	ssyncadd.s32 s4;
	_ =	sdelay $0x1  }
0xa1: {  	s23 =	simm.s32 $0x1B8B  }
0xa2: {  	_ =	swait.ge [sflag:s23], $0x1  }
0xa3: {  	[sflag:s23] =	ssyncset.done $0x0  }
0xa4: {  	s25 =	simm.s32 $0x1B8E;
	s24 =	sld [smem:$0x3FFE];
	[sflag:s23] =	ssyncadd.s32 $0xFFFFFFFF  }
0xa5: {  	s26 =	simm.s32 $execute0_lowered;
	[smem:$0x3FD2] =	sst s25  }
0xa6: {  	s5 =	sshll.u32 s26, $0x1;
	_ =	strace $0x80000049;
	[dreg:$0x1] =	wrdreg $0xFFFFFFFF  }
0xa7: {  	s28 =	simm.s32 $_size_execute0_lowered;
	s3 =	sadd.s32 s3, s5;
	[dreg:$0x0] =	wrdreg $0x0  }
0xa8: {  	s5 =	sshll.u32 s28, $0x1;
	[dreg:$0x2] =	wrdreg s3  }
0xa9: {  	[dreg:$0x3] =	wrdreg s5  }
0xaa: {  	[dreg:$0x4] =	wrdreg $0xC0  }
0xab: {  	_ =	task [dreg:s7], $0x5FFFF  }
0xac: {  	[dreg:$0x1] =	wrdreg $0xFFFFFFFF  }
0xad: {  	[dreg:$0x0] =	wrdreg $0x60  }
0xae: {  	[dreg:$0x2] =	wrdreg s2  }
0xaf: {  	[dreg:$0x3] =	wrdreg s24  }
0xb0: {  	[dreg:$0x4] =	wrdreg $0x0  }
0xb1: {  	[dreg:$0x5] =	wrdreg $0x9  }
0xb2: {  	_ =	task.clear_ibuf [dreg:s7], $0x6FFFF;
	_ =	strace $0x90000049  }
0xb3: {  	s29 =	simm.s32 $0x9;
	_ =	strace $0x8000004B  }
0xb4: {  	_ =	swait.ge [sflag:s29], $0x1  }
0xb5: {  	[sflag:s29] =	ssyncadd.s32 $0xFFFFFFFF  }
0xb6: {  	_ =	strace $0x9000004B  }
0xb7: {  	_ =	sfence  }
0xb8: {  	s30 =	sld [smem:$0x0];
	_ =	sdelay $0x2  }
0xb9: {  	s31 =	sshll.u32 s1, $0xD;
	s1 =	sshrl.u32 s1, $0x2  }
0xba: {  	s3 =	sand.u32 $0x4000, s31;
	s1 =	sadd.s32 s1, s30  }
0xbb: {  	s0 =	sor.u32 s3, s0;
	s1 =	sshll.u32 s1, $0x11  }
0xbc: {  	s0 =	sor.u32 s1, s0  }
0xbd: {  	s0 =	sadd.s32 $0x8F2B, s0  }
0xbe: {  	[sflag:s0] =	ssyncadd.remote.s32 $0x1  }
0xbf: {  	_ =	sfence.sel $0xFFFF  }
0xc0: {  	[dreg:$0x0] =	wrdreg $0xFFFFFFFF;
	(pc) =	sbr.abs _section_cstart, $3  }
0xc1: {  	[dreg:$0x1] =	wrdreg $0xFFFFFFFF  }
0xc2: {  	_ =	task.clear_ibuf [dreg:s7], $0x2FFFF;
	_ =	strace $0x9FFFFFFF  }
0xc3: {  	(tm) =	ssettm $0x7FFFFFFF  }
tec
execute0_lowered:
.L_overlay_start_1:
0x0: {  	(tag) =	ssettag $0x1  }
0x1: {  	s0 =	srdreg.scid;
	s1 =	rddreg [dreg:$0x0]  }
0x2: {  	s10 =	stileid.u32;
	s5 =	rddreg [dreg:$0x1]  }
0x3: {  	s3 =	rddreg [dreg:$0x2];
	s4 =	simm.s32 $0x0;
	s13 =	simm.s32 $0xB  }
0x4: {  	s17 =	simm.s32 $0x28;
	s18 =	simm.s32 $0x18B00;
	s20 =	simm.s32 $0x19F00  }
0x5: {  	s28 =	simm.s32 $0x1;
	s29 =	simm.s32 $0x2;
	s30 =	simm.s32 $0x3  }
0x6: {  	s31 =	simm.s32 $0x4;
	s14 =	simm.s32 $0x7;
	s21 =	simm.s32 $0x8  }
0x7: {  	s19 =	simm.s32 $0x9;
	s0 =	sand.u32 $0x1, s0;
	s6 =	sshll.u32 s10, $0x7  }
0x8: {  	[smem:$0x7FF] =	sst s4;
	s22 =	smul.u32 $0x13C00, s10;
	s2 =	sshll.u32 s0, $0x4  }
0x9: {  	s8 =	smul.u32 $0x4F000, s10;
	s9 =	sadd.s32 $0xC200, s5;
	s2 =	sor.u32 s10, s2  }
0xa: {  	s26 =	sshll.u32 s10, $0x6;
	s7 =	smul.u32 $0x13C000, s0;
	s2 =	sshrl.u32 s2, $0x3  }
0xb: {  	s6 =	sand.u32 $0x380, s6;
	_ =	strace $0x8000004A;
	s2 =	smul.u32 $0x13C00, s2  }
0xc: {  	s0 =	ssub.s32 $0x2, s0;
	[dreg:$0x4] =	wrdreg s9;
	s15 =	sor.u32 $0x1C0B, s26  }
0xd: {  	s26 =	simm.s32 $0x1DB00;
	s23 =	sshrl.u32 s0, $0x1;
	s2 =	sor.u32 s6, s2  }
0xe: {  	s25 =	sshrl.u32 s8, $0x2;
	s0 =	ssub.s32 s0, s23;
	s2 =	sshrl.u32 s2, $0x3  }
0xf: {  	s23 =	simm.s32 $0xA;
	s6 =	sadd.s32 s22, s7;
	s2 =	sadd.s32 s2, s5  }
0x10: {  	s9 =	smax.u32 s0, $0x1;
	s6 =	sshrl.u32 s6, $0x3;
	s24 =	sadd.s32 $0x3BA00, s2  }
0x11: {  	s5 =	sadd.s32 s6, s5;
	s2 =	sadd.s32 $0x45800, s2;
	[dreg:$0x5] =	wrdreg s24  }
0x12: {  	s0 =	simm.s32 $0x5;
	s5 =	sadd.s32 $0x4F600, s5;
	[dreg:$0x6] =	wrdreg s2  }
0x13: {  	s22 =	simm.s32 $0x1B300;
	s2 =	sadd.s32 s25, s3;
	[dreg:$0x7] =	wrdreg s5  }
0x14: {  	s24 =	simm.s32 $0x1C700;
	s16 =	sshrl.u32 s2, $0x3;
	s2 =	simm.s32 $0x6  }
.LBB2_1:
0x15: {  	s5 =	rddreg [dreg:$0x5]  }
0x16: {  	s6 =	simm.s32 $0x80;
	s7 =	simm.s32 $0x400;
	s8 =	simm.s32 $0x13C00  }
0x17: {  	[tilespmem:s8], [sflag:$0xB] =	stream.strided.gather [hbm4b:s5+s6], $0x2780, s7, s6, $0x38;
	[tilespmem:$0x1EF00] =	vst v63  }
0x18: {  	_ =	swait.ge [sflag:s13], $0x2780  }
0x19: {  	[sflag:s13] =	ssyncset.done $0x0  }
0x1a: {  	s10 =	simm.s32 $0x16380;
	s25 =	rddreg [dreg:$0x6];
	[sflag:s13] =	ssyncadd.s32 $0xFFFFD880  }
0x1b: {  	[tilespmem:s10], [sflag:$0xB] =	stream.strided.gather [hbm4b:s25+s6], $0x2780, s7, s6, $0x38;
	[tilespmem:$0x1EF00] =	vst v63  }
0x1c: {  	_ =	swait.ge [sflag:s13], $0x2780  }
0x1d: {  	[sflag:s13] =	ssyncset.done $0x0  }
0x1e: {  	s10 =	rddreg [dreg:$0x4];
	[sflag:s13] =	ssyncadd.s32 $0xFFFFD880  }
0x1f: {  	[spmem:s16], [sflag:s15] =	dma.local [hbm:s10], $0x2780  }
0x20: {  	_ =	swait.ge [sflag:s13], $0x2780  }
0x21: {  	[sflag:s13] =	ssyncset.done $0x0  }
0x22: {  	[sflag:s13] =	ssyncadd.s32 $0xFFFFD880  }
0x23: {  	[bflag:$0x0] =	sbarrier.arrive $0xFFFF  }
0x24: {  	[tilespmem:s18], [sflag:$0x1] =	stream.indirect.gather [hbm4b:s1+s17], $0x80, s8, s17, $0xb8;
	[tilespmem:$0x1EF00] =	vst v63  }
0x25: {  	s11 =	simm.s32 $0x13C28  }
0x26: {  	[tilespmem:s20], [sflag:$0x2] =	stream.indirect.gather [hbm4b:s1+s17], $0x80, s11, s17, $0xb8;
	[tilespmem:$0x1EF00] =	vst v63  }
0x27: {  	s12 =	simm.s32 $0x13C50  }
0x28: {  	[tilespmem:s22], [sflag:$0x3] =	stream.indirect.gather [hbm4b:s1+s17], $0x80, s12, s17, $0xb8;
	[tilespmem:$0x1EF00] =	vst v63  }
0x29: {  	s25 =	simm.s32 $0x13C78  }
0x2a: {  	[tilespmem:s24], [sflag:$0x4] =	stream.indirect.gather [hbm4b:s1+s17], $0x80, s25, s17, $0xb8;
	[tilespmem:$0x1EF00] =	vst v63  }
0x2b: {  	s6 =	simm.s32 $0x13CA0  }
0x2c: {  	[tilespmem:s26], [sflag:$0x5] =	stream.indirect.gather [hbm4b:s1+s17], $0x80, s6, s17, $0xb8;
	[tilespmem:$0x1EF00] =	vst v63  }
0x2d: {  	_ =	swait.ge [sflag:s28], $0x1400  }
0x2e: {  	p0 =	por $0x1, $0x1;
	[sflag:s28] =	ssyncset.done $0x0  }
0x2f: {  	s7 =	simm.s32 $0x16380;
	s6 =	simm.s32 @!p0 $0x8;
	[sflag:s28] =	ssyncadd.s32 $0xFFFFEC00  }
0x30: {  	[spmem:s3] =	stream.indirect.scatter.add.f32 [tilespmem:s18], [sflag:$0x6], $0x80, s7, s17, $0xb8;
	[tilespmem:$0x1EF00] =	vst v63  }
0x31: {  	_ =	swait.ge @!p0 [sflag:s6], $0x1400  }
0x32: {  	s5 =	simm.s32 @!p0 $0x13C50;
	[sflag:s6] =	ssyncset.done @!p0 $0x0  }
0x33: {  	s7 =	simm.s32 @!p0 $0x28;
	[sflag:s6] =	ssyncadd.s32 @!p0 $0xFFFFEC00;
	s6 =	simm.s32 @!p0 $0x1B300  }
0x34: {  	[tilespmem:s6], [sflag:$0x3] =	stream.indirect.gather @!p0 [hbm4b:s1+s7], $0x80, s5, s7, $0xb8;
	[tilespmem:$0x1EF00] =	vst v63  }
0x35: {  	_ =	swait.ge [sflag:s29], $0x1400  }
0x36: {  	p0 =	por $0x1, $0x1;
	[sflag:s29] =	ssyncset.done $0x0  }
0x37: {  	s8 =	simm.s32 $0x163A8;
	s6 =	simm.s32 @!p0 $0x9;
	[sflag:s29] =	ssyncadd.s32 $0xFFFFEC00  }
0x38: {  	[spmem:s3] =	stream.indirect.scatter.add.f32 [tilespmem:s20], [sflag:$0x7], $0x80, s8, s17, $0xb8;
	[tilespmem:$0x1EF00] =	vst v63  }
0x39: {  	_ =	swait.ge @!p0 [sflag:s6], $0x1400  }
0x3a: {  	s5 =	simm.s32 @!p0 $0x13C78;
	[sflag:s6] =	ssyncset.done @!p0 $0x0  }
0x3b: {  	s7 =	simm.s32 @!p0 $0x28;
	[sflag:s6] =	ssyncadd.s32 @!p0 $0xFFFFEC00;
	s6 =	simm.s32 @!p0 $0x1C700  }
0x3c: {  	[tilespmem:s6], [sflag:$0x4] =	stream.indirect.gather @!p0 [hbm4b:s1+s7], $0x80, s5, s7, $0xb8;
	[tilespmem:$0x1EF00] =	vst v63  }
0x3d: {  	_ =	swait.ge [sflag:s30], $0x1400  }
0x3e: {  	p0 =	por $0x1, $0x1;
	[sflag:s30] =	ssyncset.done $0x0  }
0x3f: {  	s10 =	simm.s32 $0x163D0;
	s6 =	simm.s32 @!p0 $0xA;
	[sflag:s30] =	ssyncadd.s32 $0xFFFFEC00  }
0x40: {  	[spmem:s3] =	stream.indirect.scatter.add.f32 [tilespmem:s22], [sflag:$0x8], $0x80, s10, s17, $0xb8;
	[tilespmem:$0x1EF00] =	vst v63  }
0x41: {  	_ =	swait.ge @!p0 [sflag:s6], $0x1400  }
0x42: {  	s5 =	simm.s32 @!p0 $0x13CA0;
	[sflag:s6] =	ssyncset.done @!p0 $0x0  }
0x43: {  	s7 =	simm.s32 @!p0 $0x28;
	[sflag:s6] =	ssyncadd.s32 @!p0 $0xFFFFEC00;
	s6 =	simm.s32 @!p0 $0x1DB00  }
0x44: {  	[tilespmem:s6], [sflag:$0x5] =	stream.indirect.gather @!p0 [hbm4b:s1+s7], $0x80, s5, s7, $0xb8;
	[tilespmem:$0x1EF00] =	vst v63  }
0x45: {  	_ =	swait.ge [sflag:s31], $0x1400  }
0x46: {  	[sflag:s31] =	ssyncset.done $0x0  }
0x47: {  	s11 =	simm.s32 $0x163F8;
	[sflag:s31] =	ssyncadd.s32 $0xFFFFEC00  }
0x48: {  	[spmem:s3] =	stream.indirect.scatter.add.f32 [tilespmem:s24], [sflag:$0x9], $0x80, s11, s17, $0xb8;
	[tilespmem:$0x1EF00] =	vst v63  }
0x49: {  	_ =	swait.ge [sflag:s2], $0x1400  }
0x4a: {  	[sflag:s2] =	ssyncset.done $0x0  }
0x4b: {  	s12 =	simm.s32 $0x13CC8;
	[sflag:s2] =	ssyncadd.s32 $0xFFFFEC00  }
0x4c: {  	[tilespmem:s18], [sflag:$0x1] =	stream.indirect.gather [hbm4b:s1+s17], $0x80, s12, s17, $0xb8;
	[tilespmem:$0x1EF00] =	vst v63  }
0x4d: {  	_ =	swait.ge [sflag:s0], $0x1400  }
0x4e: {  	[sflag:s0] =	ssyncset.done $0x0  }
0x4f: {  	s25 =	simm.s32 $0x16420;
	[sflag:s0] =	ssyncadd.s32 $0xFFFFEC00  }
0x50: {  	[spmem:s3] =	stream.indirect.scatter.add.f32 [tilespmem:s26], [sflag:$0xA], $0x80, s25, s17, $0xb8;
	[tilespmem:$0x1EF00] =	vst v63  }
0x51: {  	s5 =	simm.s32 $0x320;
	_ =	swait.ge [sflag:s14], $0x1400  }
0x52: {  	s6 =	simm.s32 $0x13CF0;
	s25 =	simm.s32 $0xFFFFFFFD;
	[sflag:s14] =	ssyncset.done $0x0  }
.LBB2_2:
0x53: {  	[sflag:s14] =	ssyncadd.s32 $0xFFFFEC00  }
0x54: {  	s25 =	sadd.s32 $0x5, s25;
	s7 =	smov.u32 s5;
	s5 =	sadd.s32 $0x320, s5  }
0x55: {  	[tilespmem:s20], [sflag:$0x2] =	stream.indirect.gather [hbm4b:s1+s17], $0x80, s6, s17, $0xb8;
	[tilespmem:$0x1EF00] =	vst v63  }
0x56: {  	s6 =	sshra.s32 s7, $0x2;
	p0 =	sne.s32 s5, $0x9920;
	_ =	swait.ge [sflag:s28], $0x1400  }
0x57: {  	p1 =	sgt.u32 s25, $0xF4;
	s10 =	sadd.s32 $0x16380, s6;
	[sflag:s28] =	ssyncset.done $0x0  }
0x58: {  	s11 =	simm.s32 @!p1 $0x8;
	s12 =	sshra.s32 @!p1 s7, $0x2;
	[sflag:s28] =	ssyncadd.s32 $0xFFFFEC00  }
0x59: {  	[spmem:s3] =	stream.indirect.scatter.add.f32 [tilespmem:s18], [sflag:$0x6], $0x80, s10, s17, $0xb8;
	[tilespmem:$0x1EF00] =	vst v63  }
0x5a: {  	s10 =	sadd.s32 @!p1 $0x13C50, s12;
	_ =	swait.ge @!p1 [sflag:s11], $0x1400  }
0x5b: {  	s8 =	simm.s32 @!p1 $0x1B300;
	s12 =	simm.s32 @!p1 $0x28;
	[sflag:s11] =	ssyncset.done @!p1 $0x0  }
0x5c: {  	[sflag:s11] =	ssyncadd.s32 @!p1 $0xFFFFEC00  }
0x5d: {  	[tilespmem:s8], [sflag:$0x3] =	stream.indirect.gather @!p1 [hbm4b:s1+s12], $0x80, s10, s12, $0xb8;
	[tilespmem:$0x1EF00] =	vst v63  }
0x5e: {  	s8 =	sadd.s32 $0x1, s25;
	_ =	swait.ge [sflag:s29], $0x1400  }
0x5f: {  	s10 =	sadd.s32 $0x163A8, s6;
	p1 =	sgt.u32 s8, $0xF4;
	[sflag:s29] =	ssyncset.done $0x0  }
0x60: {  	s8 =	simm.s32 @!p1 $0x9;
	s11 =	sshra.s32 @!p1 s7, $0x2;
	[sflag:s29] =	ssyncadd.s32 $0xFFFFEC00  }
0x61: {  	[spmem:s3] =	stream.indirect.scatter.add.f32 [tilespmem:s20], [sflag:$0x7], $0x80, s10, s17, $0xb8;
	[tilespmem:$0x1EF00] =	vst v63  }
0x62: {  	s10 =	sadd.s32 @!p1 $0x13C78, s11;
	_ =	swait.ge @!p1 [sflag:s8], $0x1400  }
0x63: {  	s12 =	simm.s32 @!p1 $0x1C700;
	s11 =	simm.s32 @!p1 $0x28;
	[sflag:s8] =	ssyncset.done @!p1 $0x0  }
0x64: {  	[sflag:s8] =	ssyncadd.s32 @!p1 $0xFFFFEC00  }
0x65: {  	[tilespmem:s12], [sflag:$0x4] =	stream.indirect.gather @!p1 [hbm4b:s1+s11], $0x80, s10, s11, $0xb8;
	[tilespmem:$0x1EF00] =	vst v63  }
0x66: {  	s8 =	sadd.s32 $0x2, s25;
	_ =	swait.ge [sflag:s30], $0x1400  }
0x67: {  	s10 =	sadd.s32 $0x163D0, s6;
	p1 =	sgt.u32 s8, $0xF4;
	[sflag:s30] =	ssyncset.done $0x0  }
0x68: {  	s8 =	simm.s32 @!p1 $0xA;
	s7 =	sshra.s32 @!p1 s7, $0x2;
	[sflag:s30] =	ssyncadd.s32 $0xFFFFEC00  }
0x69: {  	[spmem:s3] =	stream.indirect.scatter.add.f32 [tilespmem:s22], [sflag:$0x8], $0x80, s10, s17, $0xb8;
	[tilespmem:$0x1EF00] =	vst v63  }
0x6a: {  	s7 =	sadd.s32 @!p1 $0x13CA0, s7;
	_ =	swait.ge @!p1 [sflag:s8], $0x1400  }
0x6b: {  	s11 =	simm.s32 @!p1 $0x1DB00;
	s10 =	simm.s32 @!p1 $0x28;
	[sflag:s8] =	ssyncset.done @!p1 $0x0  }
0x6c: {  	[sflag:s8] =	ssyncadd.s32 @!p1 $0xFFFFEC00  }
0x6d: {  	[tilespmem:s11], [sflag:$0x5] =	stream.indirect.gather @!p1 [hbm4b:s1+s10], $0x80, s7, s10, $0xb8;
	[tilespmem:$0x1EF00] =	vst v63  }
0x6e: {  	_ =	swait.ge [sflag:s31], $0x1400  }
0x6f: {  	s7 =	sadd.s32 $0x163F8, s6;
	[sflag:s31] =	ssyncset.done $0x0  }
0x70: {  	[sflag:s31] =	ssyncadd.s32 $0xFFFFEC00  }
0x71: {  	[spmem:s3] =	stream.indirect.scatter.add.f32 [tilespmem:s24], [sflag:$0x9], $0x80, s7, s17, $0xb8;
	[tilespmem:$0x1EF00] =	vst v63  }
0x72: {  	_ =	swait.ge [sflag:s2], $0x1400  }
0x73: {  	s7 =	sadd.s32 $0x13CC8, s6;
	[sflag:s2] =	ssyncset.done $0x0  }
0x74: {  	[sflag:s2] =	ssyncadd.s32 $0xFFFFEC00  }
0x75: {  	[tilespmem:s18], [sflag:$0x1] =	stream.indirect.gather [hbm4b:s1+s17], $0x80, s7, s17, $0xb8;
	[tilespmem:$0x1EF00] =	vst v63  }
0x76: {  	_ =	swait.ge [sflag:s0], $0x1400  }
.Ltmp0:
0x77: {  	s7 =	sadd.s32 $0x16420, s6;
	[sflag:s0] =	ssyncset.done $0x0;
	(pc) =	sbr.rel @p0 .LBB2_2-.Ltmp0, $4  }
0x78: {  	[sflag:s0] =	ssyncadd.s32 $0xFFFFEC00  }
0x79: {  	[spmem:s3] =	stream.indirect.scatter.add.f32 [tilespmem:s26], [sflag:$0xA], $0x80, s7, s17, $0xb8;
	[tilespmem:$0x1EF00] =	vst v63  }
0x7a: {  	_ =	swait.ge [sflag:s14], $0x1400  }
0x7b: {  	s6 =	sadd.s32 $0x13CF0, s6;
	[sflag:s14] =	ssyncset.done $0x0  }
0x7c: {  	[sflag:s14] =	ssyncadd.s32 $0xFFFFEC00  }
0x7d: {  	[tilespmem:s20], [sflag:$0x2] =	stream.indirect.gather [hbm4b:s1+s17], $0x80, s6, s17, $0xb8;
	[tilespmem:$0x1EF00] =	vst v63  }
0x7e: {  	_ =	swait.ge [sflag:s28], $0x1400  }
0x7f: {  	[sflag:s28] =	ssyncset.done $0x0  }
0x80: {  	s5 =	simm.s32 $0x189C8;
	[sflag:s28] =	ssyncadd.s32 $0xFFFFEC00  }
0x81: {  	[spmem:s3] =	stream.indirect.scatter.add.f32 [tilespmem:s18], [sflag:$0x6], $0x80, s5, s17, $0xb8;
	[tilespmem:$0x1EF00] =	vst v63  }
0x82: {  	_ =	swait.ge [sflag:s21], $0x1400  }
0x83: {  	[sflag:s21] =	ssyncset.done $0x0  }
0x84: {  	s25 =	simm.s32 $0x16298;
	[sflag:s21] =	ssyncadd.s32 $0xFFFFEC00  }
0x85: {  	[tilespmem:s22], [sflag:$0x3] =	stream.indirect.gather [hbm4b:s1+s17], $0x80, s25, s17, $0xb8;
	[tilespmem:$0x1EF00] =	vst v63  }
0x86: {  	_ =	swait.ge [sflag:s29], $0x1400  }
0x87: {  	[sflag:s29] =	ssyncset.done $0x0  }
0x88: {  	s6 =	simm.s32 $0x189F0;
	[sflag:s29] =	ssyncadd.s32 $0xFFFFEC00  }
0x89: {  	[spmem:s3] =	stream.indirect.scatter.add.f32 [tilespmem:s20], [sflag:$0x7], $0x80, s6, s17, $0xb8;
	[tilespmem:$0x1EF00] =	vst v63  }
0x8a: {  	_ =	swait.ge [sflag:s19], $0x1400  }
0x8b: {  	[sflag:s19] =	ssyncset.done $0x0  }
0x8c: {  	s7 =	simm.s32 $0x162C0;
	[sflag:s19] =	ssyncadd.s32 $0xFFFFEC00  }
0x8d: {  	[tilespmem:s24], [sflag:$0x4] =	stream.indirect.gather [hbm4b:s1+s17], $0x80, s7, s17, $0xb8;
	[tilespmem:$0x1EF00] =	vst v63  }
0x8e: {  	_ =	swait.ge [sflag:s30], $0x1400  }
0x8f: {  	[sflag:s30] =	ssyncset.done $0x0  }
0x90: {  	s8 =	simm.s32 $0x18A18;
	[sflag:s30] =	ssyncadd.s32 $0xFFFFEC00  }
0x91: {  	[spmem:s3] =	stream.indirect.scatter.add.f32 [tilespmem:s22], [sflag:$0x8], $0x80, s8, s17, $0xb8;
	[tilespmem:$0x1EF00] =	vst v63  }
0x92: {  	_ =	swait.ge [sflag:s23], $0x1400  }
0x93: {  	[sflag:s23] =	ssyncset.done $0x0  }
0x94: {  	s10 =	simm.s32 $0x162E8;
	[sflag:s23] =	ssyncadd.s32 $0xFFFFEC00  }
0x95: {  	[tilespmem:s26], [sflag:$0x5] =	stream.indirect.gather [hbm4b:s1+s17], $0x80, s10, s17, $0xb8;
	[tilespmem:$0x1EF00] =	vst v63  }
0x96: {  	_ =	swait.ge [sflag:s31], $0x1400  }
0x97: {  	[sflag:s31] =	ssyncset.done $0x0  }
0x98: {  	s11 =	simm.s32 $0x18A40;
	[sflag:s31] =	ssyncadd.s32 $0xFFFFEC00  }
0x99: {  	[spmem:s3] =	stream.indirect.scatter.add.f32 [tilespmem:s24], [sflag:$0x9], $0x80, s11, s17, $0xb8;
	[tilespmem:$0x1EF00] =	vst v63  }
0x9a: {  	_ =	swait.ge [sflag:s0], $0x1400  }
0x9b: {  	[sflag:s0] =	ssyncset.done $0x0  }
0x9c: {  	s12 =	simm.s32 $0x18A68;
	[sflag:s0] =	ssyncadd.s32 $0xFFFFEC00  }
0x9d: {  	[spmem:s3] =	stream.indirect.scatter.add.f32 [tilespmem:s26], [sflag:$0xA], $0x80, s12, s17, $0xb8;
	[tilespmem:$0x1EF00] =	vst v63  }
0x9e: {  	_ =	swait.ge [sflag:s2], $0x1400  }
0x9f: {  	[sflag:s2] =	ssyncset.done $0x0  }
0xa0: {  	[sflag:s2] =	ssyncadd.s32 $0xFFFFEC00  }
0xa1: {  	_ =	swait.ge [sflag:s14], $0x1400  }
0xa2: {  	[sflag:s14] =	ssyncset.done $0x0  }
0xa3: {  	[sflag:s14] =	ssyncadd.s32 $0xFFFFEC00  }
0xa4: {  	_ =	swait.ge [sflag:s21], $0x1400  }
0xa5: {  	[sflag:s21] =	ssyncset.done $0x0  }
0xa6: {  	[sflag:s21] =	ssyncadd.s32 $0xFFFFEC00  }
0xa7: {  	_ =	swait.ge [sflag:s19], $0x1400  }
0xa8: {  	[sflag:s19] =	ssyncset.done $0x0  }
0xa9: {  	[sflag:s19] =	ssyncadd.s32 $0xFFFFEC00  }
0xaa: {  	_ =	swait.ge [sflag:s23], $0x1400  }
0xab: {  	[sflag:s23] =	ssyncset.done $0x0  }
0xac: {  	s4 =	sadd.s32 $0x1, s4;
	[sflag:s23] =	ssyncadd.s32 $0xFFFFEC00  }
0xad: {  	p0 =	sne.s32 s4, s9;
	[bflag:$0x0] =	sbarrier.arrive $0xFFFF  }
.Ltmp1:
0xae: {  	s25 =	rddreg [dreg:$0x7];
	(pc) =	sbr.rel @p0 .LBB2_1-.Ltmp1, $4  }
0xaf: {  	[hbm:s25], [sflag:s15] =	dma.local [spmem:s16], $0x2780  }
0xb0: {  	_ =	swait.ge [sflag:s13], $0x2780  }
0xb1: {  	[sflag:s13] =	ssyncset.done $0x0  }
0xb2: {  	[sflag:s13] =	ssyncadd.s32 $0xFFFFD880  }
0xb3: {  	_ =	sfence.sel $0x180000  }
0xb4: {  	[bflag:$0x0] =	sbarrier.arrive $0xFFFF  }
0xb5: {  	_ =	strace $0x9000004A  }
0xb6: {  	s0 =	stileid.u32;
	[bflag:$0x2] =	sbarrier.arrive $0xFFFF  }
0xb7: {  	p0 =	sne.s32 s0, $0x0;
	s0 =	rddreg [dreg:$0x3]  }
0xb8: {  	s0 =	sadd.s32 @!p0 $0x100000, s0  }
0xb9: {  	[sflag:s0] =	ssyncadd.tile.s32 @!p0 $0x1;
	_ =	shalt  }
.Lfunc_end2:
_tile_overlayer_lowered:
.L_overlay_start_2:
0xba: {  	(tag) =	ssettag $0x2  }
0xbb: {  	s0 =	rddreg [dreg:$0x0];
	s2 =	stileid.u32  }
0xbc: {  	s1 =	rddreg [dreg:$0x1];
	p0 =	sne.s32 s2, $0x0  }
0xbd: {  	s3 =	rddreg [dreg:$0x2];
	[bflag:$0x3] =	sbarrier.arrive $0xFFFF;
	s2 =	simm.s32 @!p0 $0x1C0B  }
0xbe: {  	[timem:s3], [sflag:s2] =	dma.local @!p0 [hbm:s0], s1  }
0xbf: {  	s0 =	simm.s32 @!p0 $0xB  }
0xc0: {  	_ =	swait.ge @!p0 [sflag:s0], s1  }
0xc1: {  	s1 =	ssub.s32 @!p0 $0x0, s1;
	[sflag:s0] =	ssyncset.done @!p0 $0x0  }
0xc2: {  	[sflag:s0] =	ssyncadd.s32 @!p0 s1  }
0xc3: {  	[bflag:$0x3] =	sbarrier.arrive $0xFFFF  }
0xc4: {  	_ =	shalt  }

</sc_bundles>
